<compile_context>
chip_gen: v7x
topology: tpu7x:2x2x1
jax: 0.10.2.dev20260603
libtpu: 0.0.44.dev20260713+nightly
codegen_flags: <defaults>
</compile_context>

<pallas_src>
import functools

import jax
import jax.numpy as jnp
from jax import lax
from jax.experimental import pallas as pl
from jax.experimental.pallas import tpu as pltpu
from jax.experimental.pallas import tpu_sc as plsc

_B = 4096
_L = 50
_H = 128
_SYM = 32
_C = 16

_NC = 2
_NS = 16
_NW = _NC * _NS
_BPW = _B // _NW
_PAIRS = _BPW // 2
_PL = 2 * _L
_LANES = 16
_NBUF = 4
_P = 1


def _sum_pool_sc(ids2, didx2, emb_table):
    mesh = plsc.VectorSubcoreMesh(core_axis_name="c", subcore_axis_name="s")

    @functools.partial(
        pl.kernel,
        out_type=jax.ShapeDtypeStruct((_B * _P, _H), jnp.float32),
        mesh=mesh,
        scratch_types=[
            pltpu.VMEM((_PAIRS, _PL), jnp.int32),
            pltpu.VMEM((_PAIRS, _PL), jnp.int32),
            pltpu.VMEM((_NBUF, _PL, _H), jnp.float32),
            pltpu.VMEM((_BPW, _H), jnp.float32),
            pltpu.VMEM_SHARED((_NS * _BPW * _P, _H), jnp.float32),
            [pltpu.SemaphoreType.DMA] * _NBUF,
            [pltpu.SemaphoreType.DMA] * _NBUF,
        ],
    )
    def body(ids_hbm, didx_hbm, table_hbm, out_hbm,
             ids_v, didx_v, rows_v, z_v, acc_sh, sems, ssems):
        c = lax.axis_index("c")
        s = lax.axis_index("s")
        wid = s * _NC + c
        pltpu.sync_copy(ids_hbm.at[pl.ds(wid * _PAIRS, _PAIRS)], ids_v)
        pltpu.sync_copy(didx_hbm.at[pl.ds(wid * _PAIRS, _PAIRS)], didx_v)

        def zbody(r, carry):
            for k in range(_H // _LANES):
                z_v[r, pl.ds(k * _LANES, _LANES)] = jnp.zeros(
                    (_LANES,), jnp.float32
                )
            return carry

        lax.fori_loop(0, _BPW, zbody, 0)
        for t in range(_P):
            pltpu.sync_copy(
                z_v, acc_sh.at[pl.ds(s * _BPW * _P + t * _BPW, _BPW)]
            )

        def issue(pair, buf):
            return pltpu.async_copy(
                table_hbm.at[ids_v.at[pair]], rows_v.at[buf], sems[buf]
            )

        def drain(pair, buf):
            pltpu.make_async_copy(
                table_hbm.at[ids_v.at[pair]], rows_v.at[buf], sems[buf]
            ).wait()

        def scat(pair, buf):
            return pltpu.async_copy(
                rows_v.at[buf], acc_sh.at[didx_v.at[pair]], ssems[buf], add=True
            )

        def scat_drain(pair, buf):
            pltpu.make_async_copy(
                rows_v.at[buf], acc_sh.at[didx_v.at[pair]], ssems[buf]
            ).wait()

        for b in range(_NBUF - 1):
            issue(b, b)

        def step(q, b, first):
            nb = (b + _NBUF - 1) % _NBUF
            if first:
                pl.when(q > 0)(lambda: scat_drain(q - 1, nb))
            else:
                scat_drain(q - 1, nb)
            issue(jnp.minimum(q + _NBUF - 1, _PAIRS - 1), nb)
            drain(q, b)
            scat(q, b)

        def loop_body(i, carry):
            for b in range(_NBUF):
                step(i * _NBUF + b, b, first=(b == 0))
            return carry

        lax.fori_loop(0, _PAIRS // _NBUF, loop_body, 0)
        scat_drain(_PAIRS - 1, (_PAIRS - 1) % _NBUF)
        for b in range(_NBUF - 1):
            drain(_PAIRS - 1, b)

        pltpu.sync_copy(
            acc_sh.at[pl.ds(s * _BPW * _P, _BPW * _P)],
            out_hbm.at[pl.ds(wid * _BPW * _P, _BPW * _P)],
        )

    return body(ids2, didx2, emb_table)


def _fc_body(emb_sum_ref, ids_ref, sym_ref, w1_ref, w2_ref, b_ref, out_ref):
    cnt = jnp.sum(jnp.where(ids_ref[...] != 0, 1.0, 0.0), axis=1, keepdims=True)
    avg = jnp.sum(emb_sum_ref[...], axis=1) * (1.0 / jnp.maximum(cnt, 1.0))
    out_ref[...] = (
        jnp.dot(avg, w1_ref[...], preferred_element_type=jnp.float32)
        + jnp.dot(sym_ref[...], w2_ref[...], preferred_element_type=jnp.float32)
        + b_ref[...]
    )


def kernel(ids, sym, emb_table, fc_w, fc_b):
    ids = ids.astype(jnp.int32)
    ids2 = ids.reshape(_B // 2, _PL)

    p = jnp.arange(_B // 2, dtype=jnp.int32)
    base = (p // _PAIRS // _NC) * _BPW + 2 * (p % _PAIRS)
    i = jnp.arange(_PL, dtype=jnp.int32)
    hi = (i >= _L).astype(jnp.int32)
    part = (i - _L * hi) % _P
    didx2 = (base[:, None] + hi[None, :]) * _P + part[None, :]

    emb_sum = _sum_pool_sc(ids2, didx2, emb_table).reshape(_B, _P, _H)

    w1 = fc_w[:, :_H].T
    w2 = fc_w[:, _H:].T
    out = pl.pallas_call(
        _fc_body,
        out_shape=jax.ShapeDtypeStruct((_B, _C), jnp.float32),
    )(emb_sum, ids, sym, w1, w2, fc_b.reshape(1, _C))
    return out

# --- scband reference (transcript-rebuilt; emitter-appended) ---
"""Pipeline reference for scband-neural-symbolic-classifier-88648124990180 (READ-ONLY COPY).

The authoritative reference and input builder live on the scoring server;
editing this copy changes nothing except your own understanding.
"""

import jax, jax.numpy as jnp
import numpy as np

VOCAB = 100000
B = 4096
L = 50
H = 128
SYM = 32
C = 16


def setup_inputs(seed: int = 0) -> dict:
    key = jax.random.key(seed)
    k_ids, k_sym, k_emb, k_w, k_b = jax.random.split(key, 5)
    ids = jax.random.randint(k_ids, (B, L), 0, VOCAB, dtype=jnp.int64 if jax.config.jax_enable_x64 else jnp.int32)
    sym = jax.random.normal(k_sym, (B, SYM), dtype=jnp.float32)
    # nn.Embedding(vocab, hidden_dim, padding_idx=0): row 0 initialized to zeros
    emb_table = jax.random.normal(k_emb, (VOCAB, H), dtype=jnp.float32) * 0.02
    emb_table = emb_table.at[0].set(0.0)
    fc_w = jax.random.normal(k_w, (C, H + SYM), dtype=jnp.float32) * 0.02
    fc_b = jnp.zeros((C,), dtype=jnp.float32)
    return {"ids": ids, "sym": sym, "emb_table": emb_table, "fc_w": fc_w, "fc_b": fc_b}


def reference(ids, sym, emb_table, fc_w, fc_b):
    # emb = self.emb(ids)
    emb = jnp.take(emb_table, ids, axis=0)  # [B, L, H]
    # mask = (ids != 0).unsqueeze(-1)
    mask = (ids != 0)[..., None].astype(emb.dtype)  # [B, L, 1]
    # avg = (emb * mask).sum(1) / mask.sum(1).clamp(min=1)
    avg = (emb * mask).sum(axis=1) / jnp.clip(mask.sum(axis=1), 1.0)  # [B, H]
    # x = torch.cat([avg, sym], dim=-1)
    x = jnp.concatenate([avg, sym], axis=-1)  # [B, H+SYM]
    # return self.fc(x)
    return x @ fc_w.T + fc_b

if __name__ == "__main__":
    import jax
    _d = setup_inputs()
    print(jax.jit(kernel)(*tuple(_d.values())))

</pallas_src>

<mosaic_0001>
#map = affine_map<(d0, d1) -> (0, 0)>
module attributes {stable_mosaic.version = 14 : i64} {
  func.func @body(%arg0: i32, %arg1: i32, %arg2: memref<2048x100xi32, #tpu.memory_space<hbm>>, %arg3: memref<2048x100xi32, #tpu.memory_space<hbm>>, %arg4: memref<100000x128xf32, #tpu.memory_space<hbm>>, %arg5: memref<4096x128xf32, #tpu.memory_space<hbm>>, %arg6: memref<64x100xi32, #tpu.memory_space<vmem>>, %arg7: memref<64x100xi32, #tpu.memory_space<vmem>>, %arg8: memref<4x100x128xf32, #tpu.memory_space<vmem>>, %arg9: memref<128x128xf32, #tpu.memory_space<vmem>>, %arg10: memref<2048x128xf32, #tpu.memory_space<vmem_shared>>, %arg11: memref<!tpu.dma_semaphore, #tpu.memory_space<semaphore_mem>>, %arg12: memref<!tpu.dma_semaphore, #tpu.memory_space<semaphore_mem>>, %arg13: memref<!tpu.dma_semaphore, #tpu.memory_space<semaphore_mem>>, %arg14: memref<!tpu.dma_semaphore, #tpu.memory_space<semaphore_mem>>, %arg15: memref<!tpu.dma_semaphore, #tpu.memory_space<semaphore_mem>>, %arg16: memref<!tpu.dma_semaphore, #tpu.memory_space<semaphore_mem>>, %arg17: memref<!tpu.dma_semaphore, #tpu.memory_space<semaphore_mem>>, %arg18: memref<!tpu.dma_semaphore, #tpu.memory_space<semaphore_mem>>) attributes {dimension_semantics = [#tpu.dimension_semantics<core_parallel>, #tpu.dimension_semantics<subcore_parallel>], iteration_bounds = array<i64: 2, 16>, scalar_prefetch = 0 : i64, scratch_operands = 13 : i64, tpu.core_type = #tpu.core_type<sc_vector_subcore>, window_params = [{transform_indices = #map}, {transform_indices = #map}, {transform_indices = #map}, {transform_indices = #map}]} {
    %mul3A = arith.constant 2 : i32
    %mul3A_0 = arith.muli %arg1, %mul3A : i32
    %add3A = arith.addi %mul3A_0, %arg0 : i32
    %mul3A_1 = arith.constant 64 : i32
    %mul3A_2 = arith.muli %add3A, %mul3A_1 : i32
    "tpu.region"() ({
      %run_scoped3A = tpu.sem_alloc : memref<!tpu.dma_semaphore, #tpu.memory_space<semaphore_mem>>
      %dma_start3A_112 = arith.constant 0 : i32
      %dma_start3A_113 = tpu.memref_slice %arg2[%mul3A_2, %dma_start3A_112] : memref<2048x100xi32, #tpu.memory_space<hbm>> -> memref<64x100xi32, #tpu.memory_space<hbm>>
      %dma_start3A_114 = arith.constant 0 : i32
      %dma_start3A_115 = tpu.memref_slice %arg2[%mul3A_2, %dma_start3A_114] : memref<2048x100xi32, #tpu.memory_space<hbm>> -> memref<64x100xi32, #tpu.memory_space<hbm>>
      tpu.enqueue_dma source(%dma_start3A_115 : memref<64x100xi32, #tpu.memory_space<hbm>>) target(%arg6 : memref<64x100xi32, #tpu.memory_space<vmem>>) target_semaphore(%run_scoped3A : memref<!tpu.dma_semaphore, #tpu.memory_space<semaphore_mem>>)
      %dma_wait3A_116 = arith.constant 0 : i32
      %dma_wait3A_117 = tpu.memref_slice %arg2[%mul3A_2, %dma_wait3A_116] : memref<2048x100xi32, #tpu.memory_space<hbm>> -> memref<64x100xi32, #tpu.memory_space<hbm>>
      %dma_wait3A_118 = arith.constant 0 : i32
      %dma_wait3A_119 = tpu.memref_slice %arg2[%mul3A_2, %dma_wait3A_118] : memref<2048x100xi32, #tpu.memory_space<hbm>> -> memref<64x100xi32, #tpu.memory_space<hbm>>
      tpu.wait_dma2 semaphore(%run_scoped3A : memref<!tpu.dma_semaphore, #tpu.memory_space<semaphore_mem>>) src(%dma_wait3A_119 : memref<64x100xi32, #tpu.memory_space<hbm>>) dst(%arg6 : memref<64x100xi32, #tpu.memory_space<vmem>>)
      tpu.yield
    }) : () -> ()
    %mul3A_3 = arith.constant 64 : i32
    %mul3A_4 = arith.muli %add3A, %mul3A_3 : i32
    "tpu.region"() ({
      %run_scoped3A = tpu.sem_alloc : memref<!tpu.dma_semaphore, #tpu.memory_space<semaphore_mem>>
      %dma_start3A_112 = arith.constant 0 : i32
      %dma_start3A_113 = tpu.memref_slice %arg3[%mul3A_4, %dma_start3A_112] : memref<2048x100xi32, #tpu.memory_space<hbm>> -> memref<64x100xi32, #tpu.memory_space<hbm>>
      %dma_start3A_114 = arith.constant 0 : i32
      %dma_start3A_115 = tpu.memref_slice %arg3[%mul3A_4, %dma_start3A_114] : memref<2048x100xi32, #tpu.memory_space<hbm>> -> memref<64x100xi32, #tpu.memory_space<hbm>>
      tpu.enqueue_dma source(%dma_start3A_115 : memref<64x100xi32, #tpu.memory_space<hbm>>) target(%arg7 : memref<64x100xi32, #tpu.memory_space<vmem>>) target_semaphore(%run_scoped3A : memref<!tpu.dma_semaphore, #tpu.memory_space<semaphore_mem>>)
      %dma_wait3A_116 = arith.constant 0 : i32
      %dma_wait3A_117 = tpu.memref_slice %arg3[%mul3A_4, %dma_wait3A_116] : memref<2048x100xi32, #tpu.memory_space<hbm>> -> memref<64x100xi32, #tpu.memory_space<hbm>>
      %dma_wait3A_118 = arith.constant 0 : i32
      %dma_wait3A_119 = tpu.memref_slice %arg3[%mul3A_4, %dma_wait3A_118] : memref<2048x100xi32, #tpu.memory_space<hbm>> -> memref<64x100xi32, #tpu.memory_space<hbm>>
      tpu.wait_dma2 semaphore(%run_scoped3A : memref<!tpu.dma_semaphore, #tpu.memory_space<semaphore_mem>>) src(%dma_wait3A_119 : memref<64x100xi32, #tpu.memory_space<hbm>>) dst(%arg7 : memref<64x100xi32, #tpu.memory_space<vmem>>)
      tpu.yield
    }) : () -> ()
    %scan3A = arith.constant 0 : i32
    %scan3A_5 = arith.constant 0 : i32
    %scan3A_6 = arith.constant 128 : i32
    %scan3A_7 = arith.addi %scan3A_5, %scan3A_6 : i32
    %scan3A_8 = arith.constant 1 : i32
    scf.for %scan3A_112 = %scan3A_5 to %scan3A_7 step %scan3A_8  : i32 {
      %broadcast_in_dim3A = arith.constant 0.000000e+00 : f32
      %broadcast_in_dim3A_113 = vector.broadcast %broadcast_in_dim3A : f32 to vector<16xf32>
      %swap3A = arith.index_cast %scan3A_112 : i32 to index
      %swap3A_114 = arith.constant 0 : index
      %swap3A_115 = tpu.vector_load %arg9[%swap3A, %swap3A_114] {strides = array<i32>} : memref<128x128xf32, #tpu.memory_space<vmem>>, vector<1x16xf32>,
      %swap3A_116 = vector.shape_cast %swap3A_115 : vector<1x16xf32> to vector<16xf32>
      %swap3A_117 = vector.shape_cast %broadcast_in_dim3A_113 : vector<16xf32> to vector<1x16xf32>
      tpu.vector_store %arg9[%swap3A, %swap3A_114], %swap3A_117 {strides = array<i32>} : memref<128x128xf32, #tpu.memory_space<vmem>>, vector<1x16xf32>,
      %broadcast_in_dim3A_118 = arith.constant 0.000000e+00 : f32
      %broadcast_in_dim3A_119 = vector.broadcast %broadcast_in_dim3A_118 : f32 to vector<16xf32>
      %swap3A_120 = arith.index_cast %scan3A_112 : i32 to index
      %swap3A_121 = arith.constant 16 : index
      %swap3A_122 = tpu.vector_load %arg9[%swap3A_120, %swap3A_121] {strides = array<i32>} : memref<128x128xf32, #tpu.memory_space<vmem>>, vector<1x16xf32>,
      %swap3A_123 = vector.shape_cast %swap3A_122 : vector<1x16xf32> to vector<16xf32>
      %swap3A_124 = vector.shape_cast %broadcast_in_dim3A_119 : vector<16xf32> to vector<1x16xf32>
      tpu.vector_store %arg9[%swap3A_120, %swap3A_121], %swap3A_124 {strides = array<i32>} : memref<128x128xf32, #tpu.memory_space<vmem>>, vector<1x16xf32>,
      %broadcast_in_dim3A_125 = arith.constant 0.000000e+00 : f32
      %broadcast_in_dim3A_126 = vector.broadcast %broadcast_in_dim3A_125 : f32 to vector<16xf32>
      %swap3A_127 = arith.index_cast %scan3A_112 : i32 to index
      %swap3A_128 = arith.constant 32 : index
      %swap3A_129 = tpu.vector_load %arg9[%swap3A_127, %swap3A_128] {strides = array<i32>} : memref<128x128xf32, #tpu.memory_space<vmem>>, vector<1x16xf32>,
      %swap3A_130 = vector.shape_cast %swap3A_129 : vector<1x16xf32> to vector<16xf32>
      %swap3A_131 = vector.shape_cast %broadcast_in_dim3A_126 : vector<16xf32> to vector<1x16xf32>
      tpu.vector_store %arg9[%swap3A_127, %swap3A_128], %swap3A_131 {strides = array<i32>} : memref<128x128xf32, #tpu.memory_space<vmem>>, vector<1x16xf32>,
      %broadcast_in_dim3A_132 = arith.constant 0.000000e+00 : f32
      %broadcast_in_dim3A_133 = vector.broadcast %broadcast_in_dim3A_132 : f32 to vector<16xf32>
      %swap3A_134 = arith.index_cast %scan3A_112 : i32 to index
      %swap3A_135 = arith.constant 48 : index
      %swap3A_136 = tpu.vector_load %arg9[%swap3A_134, %swap3A_135] {strides = array<i32>} : memref<128x128xf32, #tpu.memory_space<vmem>>, vector<1x16xf32>,
      %swap3A_137 = vector.shape_cast %swap3A_136 : vector<1x16xf32> to vector<16xf32>
      %swap3A_138 = vector.shape_cast %broadcast_in_dim3A_133 : vector<16xf32> to vector<1x16xf32>
      tpu.vector_store %arg9[%swap3A_134, %swap3A_135], %swap3A_138 {strides = array<i32>} : memref<128x128xf32, #tpu.memory_space<vmem>>, vector<1x16xf32>,
      %broadcast_in_dim3A_139 = arith.constant 0.000000e+00 : f32
      %broadcast_in_dim3A_140 = vector.broadcast %broadcast_in_dim3A_139 : f32 to vector<16xf32>
      %swap3A_141 = arith.index_cast %scan3A_112 : i32 to index
      %swap3A_142 = arith.constant 64 : index
      %swap3A_143 = tpu.vector_load %arg9[%swap3A_141, %swap3A_142] {strides = array<i32>} : memref<128x128xf32, #tpu.memory_space<vmem>>, vector<1x16xf32>,
      %swap3A_144 = vector.shape_cast %swap3A_143 : vector<1x16xf32> to vector<16xf32>
      %swap3A_145 = vector.shape_cast %broadcast_in_dim3A_140 : vector<16xf32> to vector<1x16xf32>
      tpu.vector_store %arg9[%swap3A_141, %swap3A_142], %swap3A_145 {strides = array<i32>} : memref<128x128xf32, #tpu.memory_space<vmem>>, vector<1x16xf32>,
      %broadcast_in_dim3A_146 = arith.constant 0.000000e+00 : f32
      %broadcast_in_dim3A_147 = vector.broadcast %broadcast_in_dim3A_146 : f32 to vector<16xf32>
      %swap3A_148 = arith.index_cast %scan3A_112 : i32 to index
      %swap3A_149 = arith.constant 80 : index
      %swap3A_150 = tpu.vector_load %arg9[%swap3A_148, %swap3A_149] {strides = array<i32>} : memref<128x128xf32, #tpu.memory_space<vmem>>, vector<1x16xf32>,
      %swap3A_151 = vector.shape_cast %swap3A_150 : vector<1x16xf32> to vector<16xf32>
      %swap3A_152 = vector.shape_cast %broadcast_in_dim3A_147 : vector<16xf32> to vector<1x16xf32>
      tpu.vector_store %arg9[%swap3A_148, %swap3A_149], %swap3A_152 {strides = array<i32>} : memref<128x128xf32, #tpu.memory_space<vmem>>, vector<1x16xf32>,
      %broadcast_in_dim3A_153 = arith.constant 0.000000e+00 : f32
      %broadcast_in_dim3A_154 = vector.broadcast %broadcast_in_dim3A_153 : f32 to vector<16xf32>
      %swap3A_155 = arith.index_cast %scan3A_112 : i32 to index
      %swap3A_156 = arith.constant 96 : index
      %swap3A_157 = tpu.vector_load %arg9[%swap3A_155, %swap3A_156] {strides = array<i32>} : memref<128x128xf32, #tpu.memory_space<vmem>>, vector<1x16xf32>,
      %swap3A_158 = vector.shape_cast %swap3A_157 : vector<1x16xf32> to vector<16xf32>
      %swap3A_159 = vector.shape_cast %broadcast_in_dim3A_154 : vector<16xf32> to vector<1x16xf32>
      tpu.vector_store %arg9[%swap3A_155, %swap3A_156], %swap3A_159 {strides = array<i32>} : memref<128x128xf32, #tpu.memory_space<vmem>>, vector<1x16xf32>,
      %broadcast_in_dim3A_160 = arith.constant 0.000000e+00 : f32
      %broadcast_in_dim3A_161 = vector.broadcast %broadcast_in_dim3A_160 : f32 to vector<16xf32>
      %swap3A_162 = arith.index_cast %scan3A_112 : i32 to index
      %swap3A_163 = arith.constant 112 : index
      %swap3A_164 = tpu.vector_load %arg9[%swap3A_162, %swap3A_163] {strides = array<i32>} : memref<128x128xf32, #tpu.memory_space<vmem>>, vector<1x16xf32>,
      %swap3A_165 = vector.shape_cast %swap3A_164 : vector<1x16xf32> to vector<16xf32>
      %swap3A_166 = vector.shape_cast %broadcast_in_dim3A_161 : vector<16xf32> to vector<1x16xf32>
      tpu.vector_store %arg9[%swap3A_162, %swap3A_163], %swap3A_166 {strides = array<i32>} : memref<128x128xf32, #tpu.memory_space<vmem>>, vector<1x16xf32>,
    }
    %scan3A_9 = arith.constant 128 : i32
    %mul3A_10 = arith.constant 128 : i32
    %mul3A_11 = arith.muli %arg1, %mul3A_10 : i32
    %mul3A_12 = arith.constant 1 : i32
    %mul3A_13 = arith.muli %mul3A_11, %mul3A_12 : i32
    %add3A_14 = arith.constant 0 : i32
    %add3A_15 = arith.addi %mul3A_13, %add3A_14 : i32
    "tpu.region"() ({
      %run_scoped3A = tpu.sem_alloc : memref<!tpu.dma_semaphore, #tpu.memory_space<semaphore_mem>>
      %dma_start3A_112 = arith.constant 0 : i32
      %dma_start3A_113 = tpu.memref_slice %arg10[%add3A_15, %dma_start3A_112] : memref<2048x128xf32, #tpu.memory_space<vmem_shared>> -> memref<128x128xf32, #tpu.memory_space<vmem_shared>>
      %dma_start3A_114 = arith.constant 0 : i32
      %dma_start3A_115 = tpu.memref_slice %arg10[%add3A_15, %dma_start3A_114] : memref<2048x128xf32, #tpu.memory_space<vmem_shared>> -> memref<128x128xf32, #tpu.memory_space<vmem_shared>>
      tpu.enqueue_dma source(%arg9 : memref<128x128xf32, #tpu.memory_space<vmem>>) target(%dma_start3A_115 : memref<128x128xf32, #tpu.memory_space<vmem_shared>>) target_semaphore(%run_scoped3A : memref<!tpu.dma_semaphore, #tpu.memory_space<semaphore_mem>>)
      %dma_wait3A_116 = arith.constant 0 : i32
      %dma_wait3A_117 = tpu.memref_slice %arg10[%add3A_15, %dma_wait3A_116] : memref<2048x128xf32, #tpu.memory_space<vmem_shared>> -> memref<128x128xf32, #tpu.memory_space<vmem_shared>>
      %dma_wait3A_118 = arith.constant 0 : i32
      %dma_wait3A_119 = tpu.memref_slice %arg10[%add3A_15, %dma_wait3A_118] : memref<2048x128xf32, #tpu.memory_space<vmem_shared>> -> memref<128x128xf32, #tpu.memory_space<vmem_shared>>
      tpu.wait_dma2 semaphore(%run_scoped3A : memref<!tpu.dma_semaphore, #tpu.memory_space<semaphore_mem>>) src(%arg9 : memref<128x128xf32, #tpu.memory_space<vmem>>) dst(%dma_wait3A_119 : memref<128x128xf32, #tpu.memory_space<vmem_shared>>)
      tpu.yield
    }) : () -> ()
    %dma_start3A = arith.constant 0 : i32
    %dma_start3A_16 = arith.constant 0 : i32
    %dma_start3A_17 = arith.constant 0 : i32
    %dma_start3A_18 = arith.constant 0 : i32
    %dma_start3A_19 = tpu.memref_slice %arg8[%dma_start3A_16, %dma_start3A_17, %dma_start3A_18] : memref<4x100x128xf32, #tpu.memory_space<vmem>> -> memref<1x100x128xf32, #tpu.memory_space<vmem>>
    %dma_start3A_20 = tpu.memref_squeeze %dma_start3A_19 : memref<1x100x128xf32, #tpu.memory_space<vmem>> -> memref<100x128xf32, #tpu.memory_space<vmem>>
    %dma_start3A_21 = arith.constant 0 : i32
    %dma_start3A_22 = tpu.memref_slice %arg6[%dma_start3A, %dma_start3A_21] : memref<64x100xi32, #tpu.memory_space<vmem>> -> memref<1x100xi32, #tpu.memory_space<vmem>>
    %dma_start3A_23 = tpu.memref_squeeze %dma_start3A_22 : memref<1x100xi32, #tpu.memory_space<vmem>> -> memref<100xi32, #tpu.memory_space<vmem>>
    %dma_start3A_24 = arith.constant 0 : i32
    %dma_start3A_25 = arith.constant 0 : i32
    %dma_start3A_26 = tpu.memref_slice %arg4[%dma_start3A_24, %dma_start3A_25] : memref<100000x128xf32, #tpu.memory_space<hbm>> -> memref<100000x128xf32, #tpu.memory_space<hbm>>
    tpu.enqueue_indirect_dma source(%dma_start3A_26 : memref<100000x128xf32, #tpu.memory_space<hbm>>) target(%dma_start3A_20 : memref<100x128xf32, #tpu.memory_space<vmem>>) offsets(%dma_start3A_23 : memref<100xi32, #tpu.memory_space<vmem>>) semaphore(%arg11 : memref<!tpu.dma_semaphore, #tpu.memory_space<semaphore_mem>>)
    %dma_start3A_27 = arith.constant 1 : i32
    %dma_start3A_28 = arith.constant 1 : i32
    %dma_start3A_29 = arith.constant 0 : i32
    %dma_start3A_30 = arith.constant 0 : i32
    %dma_start3A_31 = tpu.memref_slice %arg8[%dma_start3A_28, %dma_start3A_29, %dma_start3A_30] : memref<4x100x128xf32, #tpu.memory_space<vmem>> -> memref<1x100x128xf32, #tpu.memory_space<vmem>>
    %dma_start3A_32 = tpu.memref_squeeze %dma_start3A_31 : memref<1x100x128xf32, #tpu.memory_space<vmem>> -> memref<100x128xf32, #tpu.memory_space<vmem>>
    %dma_start3A_33 = arith.constant 0 : i32
    %dma_start3A_34 = tpu.memref_slice %arg6[%dma_start3A_27, %dma_start3A_33] : memref<64x100xi32, #tpu.memory_space<vmem>> -> memref<1x100xi32, #tpu.memory_space<vmem>>
    %dma_start3A_35 = tpu.memref_squeeze %dma_start3A_34 : memref<1x100xi32, #tpu.memory_space<vmem>> -> memref<100xi32, #tpu.memory_space<vmem>>
    %dma_start3A_36 = arith.constant 0 : i32
    %dma_start3A_37 = arith.constant 0 : i32
    %dma_start3A_38 = tpu.memref_slice %arg4[%dma_start3A_36, %dma_start3A_37] : memref<100000x128xf32, #tpu.memory_space<hbm>> -> memref<100000x128xf32, #tpu.memory_space<hbm>>
    tpu.enqueue_indirect_dma source(%dma_start3A_38 : memref<100000x128xf32, #tpu.memory_space<hbm>>) target(%dma_start3A_32 : memref<100x128xf32, #tpu.memory_space<vmem>>) offsets(%dma_start3A_35 : memref<100xi32, #tpu.memory_space<vmem>>) semaphore(%arg12 : memref<!tpu.dma_semaphore, #tpu.memory_space<semaphore_mem>>)
    %dma_start3A_39 = arith.constant 2 : i32
    %dma_start3A_40 = arith.constant 2 : i32
    %dma_start3A_41 = arith.constant 0 : i32
    %dma_start3A_42 = arith.constant 0 : i32
    %dma_start3A_43 = tpu.memref_slice %arg8[%dma_start3A_40, %dma_start3A_41, %dma_start3A_42] : memref<4x100x128xf32, #tpu.memory_space<vmem>> -> memref<1x100x128xf32, #tpu.memory_space<vmem>>
    %dma_start3A_44 = tpu.memref_squeeze %dma_start3A_43 : memref<1x100x128xf32, #tpu.memory_space<vmem>> -> memref<100x128xf32, #tpu.memory_space<vmem>>
    %dma_start3A_45 = arith.constant 0 : i32
    %dma_start3A_46 = tpu.memref_slice %arg6[%dma_start3A_39, %dma_start3A_45] : memref<64x100xi32, #tpu.memory_space<vmem>> -> memref<1x100xi32, #tpu.memory_space<vmem>>
    %dma_start3A_47 = tpu.memref_squeeze %dma_start3A_46 : memref<1x100xi32, #tpu.memory_space<vmem>> -> memref<100xi32, #tpu.memory_space<vmem>>
    %dma_start3A_48 = arith.constant 0 : i32
    %dma_start3A_49 = arith.constant 0 : i32
    %dma_start3A_50 = tpu.memref_slice %arg4[%dma_start3A_48, %dma_start3A_49] : memref<100000x128xf32, #tpu.memory_space<hbm>> -> memref<100000x128xf32, #tpu.memory_space<hbm>>
    tpu.enqueue_indirect_dma source(%dma_start3A_50 : memref<100000x128xf32, #tpu.memory_space<hbm>>) target(%dma_start3A_44 : memref<100x128xf32, #tpu.memory_space<vmem>>) offsets(%dma_start3A_47 : memref<100xi32, #tpu.memory_space<vmem>>) semaphore(%arg13 : memref<!tpu.dma_semaphore, #tpu.memory_space<semaphore_mem>>)
    %scan3A_51 = arith.constant 0 : i32
    %scan3A_52 = arith.constant 0 : i32
    %scan3A_53 = arith.constant 16 : i32
    %scan3A_54 = arith.addi %scan3A_52, %scan3A_53 : i32
    %scan3A_55 = arith.constant 1 : i32
    scf.for %scan3A_112 = %scan3A_52 to %scan3A_54 step %scan3A_55  : i32 {
      %mul3A_113 = arith.constant 4 : i32
      %mul3A_114 = arith.muli %scan3A_112, %mul3A_113 : i32
      %add3A_115 = arith.constant 0 : i32
      %add3A_116 = arith.addi %mul3A_114, %add3A_115 : i32
      %gt3A = arith.constant 0 : i32
      %gt3A_117 = arith.cmpi sgt, %add3A_116, %gt3A : i32
      %convert_element_type3A = arith.extui %gt3A_117 : i1 to i32
      %cond3A = arith.constant 0 : i32
      %cond3A_118 = arith.cmpi ne, %convert_element_type3A, %cond3A : i32
      scf.if %cond3A_118 {
        %sub3A_324 = arith.constant 1 : i32
        %sub3A_325 = arith.subi %add3A_116, %sub3A_324 : i32
        %dma_wait3A_326 = arith.constant 3 : i32
        %dma_wait3A_327 = arith.constant 0 : i32
        %dma_wait3A_328 = arith.constant 0 : i32
        %dma_wait3A_329 = tpu.memref_slice %arg8[%dma_wait3A_326, %dma_wait3A_327, %dma_wait3A_328] : memref<4x100x128xf32, #tpu.memory_space<vmem>> -> memref<1x100x128xf32, #tpu.memory_space<vmem>>
        %dma_wait3A_330 = tpu.memref_squeeze %dma_wait3A_329 : memref<1x100x128xf32, #tpu.memory_space<vmem>> -> memref<100x128xf32, #tpu.memory_space<vmem>>
        %dma_wait3A_331 = arith.constant 0 : i32
        %dma_wait3A_332 = tpu.memref_slice %arg7[%sub3A_325, %dma_wait3A_331] : memref<64x100xi32, #tpu.memory_space<vmem>> -> memref<1x100xi32, #tpu.memory_space<vmem>>
        %dma_wait3A_333 = tpu.memref_squeeze %dma_wait3A_332 : memref<1x100xi32, #tpu.memory_space<vmem>> -> memref<100xi32, #tpu.memory_space<vmem>>
        %dma_wait3A_334 = arith.constant 0 : i32
        %dma_wait3A_335 = arith.constant 0 : i32
        %dma_wait3A_336 = tpu.memref_slice %arg10[%dma_wait3A_334, %dma_wait3A_335] : memref<2048x128xf32, #tpu.memory_space<vmem_shared>> -> memref<2048x128xf32, #tpu.memory_space<vmem_shared>>
        tpu.wait_indirect_dma semaphore(%arg18 : memref<!tpu.dma_semaphore, #tpu.memory_space<semaphore_mem>>) src(%dma_wait3A_330 : memref<100x128xf32, #tpu.memory_space<vmem>>) dst(%dma_wait3A_336 : memref<2048x128xf32, #tpu.memory_space<vmem_shared>>)
      } else {
      }
      %add3A_119 = arith.constant 4 : i32
      %add3A_120 = arith.addi %add3A_116, %add3A_119 : i32
      %sub3A = arith.constant 1 : i32
      %sub3A_121 = arith.subi %add3A_120, %sub3A : i32
      %min3A = arith.constant 63 : i32
      %min3A_122 = arith.minsi %sub3A_121, %min3A : i32
      %dma_start3A_123 = arith.constant 3 : i32
      %dma_start3A_124 = arith.constant 0 : i32
      %dma_start3A_125 = arith.constant 0 : i32
      %dma_start3A_126 = tpu.memref_slice %arg8[%dma_start3A_123, %dma_start3A_124, %dma_start3A_125] : memref<4x100x128xf32, #tpu.memory_space<vmem>> -> memref<1x100x128xf32, #tpu.memory_space<vmem>>
      %dma_start3A_127 = tpu.memref_squeeze %dma_start3A_126 : memref<1x100x128xf32, #tpu.memory_space<vmem>> -> memref<100x128xf32, #tpu.memory_space<vmem>>
      %dma_start3A_128 = arith.constant 0 : i32
      %dma_start3A_129 = tpu.memref_slice %arg6[%min3A_122, %dma_start3A_128] : memref<64x100xi32, #tpu.memory_space<vmem>> -> memref<1x100xi32, #tpu.memory_space<vmem>>
      %dma_start3A_130 = tpu.memref_squeeze %dma_start3A_129 : memref<1x100xi32, #tpu.memory_space<vmem>> -> memref<100xi32, #tpu.memory_space<vmem>>
      %dma_start3A_131 = arith.constant 0 : i32
      %dma_start3A_132 = arith.constant 0 : i32
      %dma_start3A_133 = tpu.memref_slice %arg4[%dma_start3A_131, %dma_start3A_132] : memref<100000x128xf32, #tpu.memory_space<hbm>> -> memref<100000x128xf32, #tpu.memory_space<hbm>>
      tpu.enqueue_indirect_dma source(%dma_start3A_133 : memref<100000x128xf32, #tpu.memory_space<hbm>>) target(%dma_start3A_127 : memref<100x128xf32, #tpu.memory_space<vmem>>) offsets(%dma_start3A_130 : memref<100xi32, #tpu.memory_space<vmem>>) semaphore(%arg14 : memref<!tpu.dma_semaphore, #tpu.memory_space<semaphore_mem>>)
      %dma_wait3A_134 = arith.constant 0 : i32
      %dma_wait3A_135 = arith.constant 0 : i32
      %dma_wait3A_136 = arith.constant 0 : i32
      %dma_wait3A_137 = tpu.memref_slice %arg8[%dma_wait3A_134, %dma_wait3A_135, %dma_wait3A_136] : memref<4x100x128xf32, #tpu.memory_space<vmem>> -> memref<1x100x128xf32, #tpu.memory_space<vmem>>
      %dma_wait3A_138 = tpu.memref_squeeze %dma_wait3A_137 : memref<1x100x128xf32, #tpu.memory_space<vmem>> -> memref<100x128xf32, #tpu.memory_space<vmem>>
      %dma_wait3A_139 = arith.constant 0 : i32
      %dma_wait3A_140 = tpu.memref_slice %arg6[%add3A_116, %dma_wait3A_139] : memref<64x100xi32, #tpu.memory_space<vmem>> -> memref<1x100xi32, #tpu.memory_space<vmem>>
      %dma_wait3A_141 = tpu.memref_squeeze %dma_wait3A_140 : memref<1x100xi32, #tpu.memory_space<vmem>> -> memref<100xi32, #tpu.memory_space<vmem>>
      %dma_wait3A_142 = arith.constant 0 : i32
      %dma_wait3A_143 = arith.constant 0 : i32
      %dma_wait3A_144 = tpu.memref_slice %arg4[%dma_wait3A_142, %dma_wait3A_143] : memref<100000x128xf32, #tpu.memory_space<hbm>> -> memref<100000x128xf32, #tpu.memory_space<hbm>>
      tpu.wait_indirect_dma semaphore(%arg11 : memref<!tpu.dma_semaphore, #tpu.memory_space<semaphore_mem>>) src(%dma_wait3A_144 : memref<100000x128xf32, #tpu.memory_space<hbm>>) dst(%dma_wait3A_138 : memref<100x128xf32, #tpu.memory_space<vmem>>)
      %dma_start3A_145 = arith.constant 0 : i32
      %dma_start3A_146 = arith.constant 0 : i32
      %dma_start3A_147 = arith.constant 0 : i32
      %dma_start3A_148 = tpu.memref_slice %arg8[%dma_start3A_145, %dma_start3A_146, %dma_start3A_147] : memref<4x100x128xf32, #tpu.memory_space<vmem>> -> memref<1x100x128xf32, #tpu.memory_space<vmem>>
      %dma_start3A_149 = tpu.memref_squeeze %dma_start3A_148 : memref<1x100x128xf32, #tpu.memory_space<vmem>> -> memref<100x128xf32, #tpu.memory_space<vmem>>
      %dma_start3A_150 = arith.constant 0 : i32
      %dma_start3A_151 = tpu.memref_slice %arg7[%add3A_116, %dma_start3A_150] : memref<64x100xi32, #tpu.memory_space<vmem>> -> memref<1x100xi32, #tpu.memory_space<vmem>>
      %dma_start3A_152 = tpu.memref_squeeze %dma_start3A_151 : memref<1x100xi32, #tpu.memory_space<vmem>> -> memref<100xi32, #tpu.memory_space<vmem>>
      %dma_start3A_153 = arith.constant 0 : i32
      %dma_start3A_154 = arith.constant 0 : i32
      %dma_start3A_155 = tpu.memref_slice %arg10[%dma_start3A_153, %dma_start3A_154] : memref<2048x128xf32, #tpu.memory_space<vmem_shared>> -> memref<2048x128xf32, #tpu.memory_space<vmem_shared>>
      tpu.enqueue_indirect_dma source(%dma_start3A_149 : memref<100x128xf32, #tpu.memory_space<vmem>>) target(%dma_start3A_155 : memref<2048x128xf32, #tpu.memory_space<vmem_shared>>) offsets(%dma_start3A_152 : memref<100xi32, #tpu.memory_space<vmem>>) semaphore(%arg15 : memref<!tpu.dma_semaphore, #tpu.memory_space<semaphore_mem>>) {add = true}
      %mul3A_156 = arith.constant 4 : i32
      %mul3A_157 = arith.muli %scan3A_112, %mul3A_156 : i32
      %add3A_158 = arith.constant 1 : i32
      %add3A_159 = arith.addi %mul3A_157, %add3A_158 : i32
      %sub3A_160 = arith.constant 1 : i32
      %sub3A_161 = arith.subi %add3A_159, %sub3A_160 : i32
      %dma_wait3A_162 = arith.constant 0 : i32
      %dma_wait3A_163 = arith.constant 0 : i32
      %dma_wait3A_164 = arith.constant 0 : i32
      %dma_wait3A_165 = tpu.memref_slice %arg8[%dma_wait3A_162, %dma_wait3A_163, %dma_wait3A_164] : memref<4x100x128xf32, #tpu.memory_space<vmem>> -> memref<1x100x128xf32, #tpu.memory_space<vmem>>
      %dma_wait3A_166 = tpu.memref_squeeze %dma_wait3A_165 : memref<1x100x128xf32, #tpu.memory_space<vmem>> -> memref<100x128xf32, #tpu.memory_space<vmem>>
      %dma_wait3A_167 = arith.constant 0 : i32
      %dma_wait3A_168 = tpu.memref_slice %arg7[%sub3A_161, %dma_wait3A_167] : memref<64x100xi32, #tpu.memory_space<vmem>> -> memref<1x100xi32, #tpu.memory_space<vmem>>
      %dma_wait3A_169 = tpu.memref_squeeze %dma_wait3A_168 : memref<1x100xi32, #tpu.memory_space<vmem>> -> memref<100xi32, #tpu.memory_space<vmem>>
      %dma_wait3A_170 = arith.constant 0 : i32
      %dma_wait3A_171 = arith.constant 0 : i32
      %dma_wait3A_172 = tpu.memref_slice %arg10[%dma_wait3A_170, %dma_wait3A_171] : memref<2048x128xf32, #tpu.memory_space<vmem_shared>> -> memref<2048x128xf32, #tpu.memory_space<vmem_shared>>
      tpu.wait_indirect_dma semaphore(%arg15 : memref<!tpu.dma_semaphore, #tpu.memory_space<semaphore_mem>>) src(%dma_wait3A_166 : memref<100x128xf32, #tpu.memory_space<vmem>>) dst(%dma_wait3A_172 : memref<2048x128xf32, #tpu.memory_space<vmem_shared>>)
      %add3A_173 = arith.constant 4 : i32
      %add3A_174 = arith.addi %add3A_159, %add3A_173 : i32
      %sub3A_175 = arith.constant 1 : i32
      %sub3A_176 = arith.subi %add3A_174, %sub3A_175 : i32
      %min3A_177 = arith.constant 63 : i32
      %min3A_178 = arith.minsi %sub3A_176, %min3A_177 : i32
      %dma_start3A_179 = arith.constant 0 : i32
      %dma_start3A_180 = arith.constant 0 : i32
      %dma_start3A_181 = arith.constant 0 : i32
      %dma_start3A_182 = tpu.memref_slice %arg8[%dma_start3A_179, %dma_start3A_180, %dma_start3A_181] : memref<4x100x128xf32, #tpu.memory_space<vmem>> -> memref<1x100x128xf32, #tpu.memory_space<vmem>>
      %dma_start3A_183 = tpu.memref_squeeze %dma_start3A_182 : memref<1x100x128xf32, #tpu.memory_space<vmem>> -> memref<100x128xf32, #tpu.memory_space<vmem>>
      %dma_start3A_184 = arith.constant 0 : i32
      %dma_start3A_185 = tpu.memref_slice %arg6[%min3A_178, %dma_start3A_184] : memref<64x100xi32, #tpu.memory_space<vmem>> -> memref<1x100xi32, #tpu.memory_space<vmem>>
      %dma_start3A_186 = tpu.memref_squeeze %dma_start3A_185 : memref<1x100xi32, #tpu.memory_space<vmem>> -> memref<100xi32, #tpu.memory_space<vmem>>
      %dma_start3A_187 = arith.constant 0 : i32
      %dma_start3A_188 = arith.constant 0 : i32
      %dma_start3A_189 = tpu.memref_slice %arg4[%dma_start3A_187, %dma_start3A_188] : memref<100000x128xf32, #tpu.memory_space<hbm>> -> memref<100000x128xf32, #tpu.memory_space<hbm>>
      tpu.enqueue_indirect_dma source(%dma_start3A_189 : memref<100000x128xf32, #tpu.memory_space<hbm>>) target(%dma_start3A_183 : memref<100x128xf32, #tpu.memory_space<vmem>>) offsets(%dma_start3A_186 : memref<100xi32, #tpu.memory_space<vmem>>) semaphore(%arg11 : memref<!tpu.dma_semaphore, #tpu.memory_space<semaphore_mem>>)
      %dma_wait3A_190 = arith.constant 1 : i32
      %dma_wait3A_191 = arith.constant 0 : i32
      %dma_wait3A_192 = arith.constant 0 : i32
      %dma_wait3A_193 = tpu.memref_slice %arg8[%dma_wait3A_190, %dma_wait3A_191, %dma_wait3A_192] : memref<4x100x128xf32, #tpu.memory_space<vmem>> -> memref<1x100x128xf32, #tpu.memory_space<vmem>>
      %dma_wait3A_194 = tpu.memref_squeeze %dma_wait3A_193 : memref<1x100x128xf32, #tpu.memory_space<vmem>> -> memref<100x128xf32, #tpu.memory_space<vmem>>
      %dma_wait3A_195 = arith.constant 0 : i32
      %dma_wait3A_196 = tpu.memref_slice %arg6[%add3A_159, %dma_wait3A_195] : memref<64x100xi32, #tpu.memory_space<vmem>> -> memref<1x100xi32, #tpu.memory_space<vmem>>
      %dma_wait3A_197 = tpu.memref_squeeze %dma_wait3A_196 : memref<1x100xi32, #tpu.memory_space<vmem>> -> memref<100xi32, #tpu.memory_space<vmem>>
      %dma_wait3A_198 = arith.constant 0 : i32
      %dma_wait3A_199 = arith.constant 0 : i32
      %dma_wait3A_200 = tpu.memref_slice %arg4[%dma_wait3A_198, %dma_wait3A_199] : memref<100000x128xf32, #tpu.memory_space<hbm>> -> memref<100000x128xf32, #tpu.memory_space<hbm>>
      tpu.wait_indirect_dma semaphore(%arg12 : memref<!tpu.dma_semaphore, #tpu.memory_space<semaphore_mem>>) src(%dma_wait3A_200 : memref<100000x128xf32, #tpu.memory_space<hbm>>) dst(%dma_wait3A_194 : memref<100x128xf32, #tpu.memory_space<vmem>>)
      %dma_start3A_201 = arith.constant 1 : i32
      %dma_start3A_202 = arith.constant 0 : i32
      %dma_start3A_203 = arith.constant 0 : i32
      %dma_start3A_204 = tpu.memref_slice %arg8[%dma_start3A_201, %dma_start3A_202, %dma_start3A_203] : memref<4x100x128xf32, #tpu.memory_space<vmem>> -> memref<1x100x128xf32, #tpu.memory_space<vmem>>
      %dma_start3A_205 = tpu.memref_squeeze %dma_start3A_204 : memref<1x100x128xf32, #tpu.memory_space<vmem>> -> memref<100x128xf32, #tpu.memory_space<vmem>>
      %dma_start3A_206 = arith.constant 0 : i32
      %dma_start3A_207 = tpu.memref_slice %arg7[%add3A_159, %dma_start3A_206] : memref<64x100xi32, #tpu.memory_space<vmem>> -> memref<1x100xi32, #tpu.memory_space<vmem>>
      %dma_start3A_208 = tpu.memref_squeeze %dma_start3A_207 : memref<1x100xi32, #tpu.memory_space<vmem>> -> memref<100xi32, #tpu.memory_space<vmem>>
      %dma_start3A_209 = arith.constant 0 : i32
      %dma_start3A_210 = arith.constant 0 : i32
      %dma_start3A_211 = tpu.memref_slice %arg10[%dma_start3A_209, %dma_start3A_210] : memref<2048x128xf32, #tpu.memory_space<vmem_shared>> -> memref<2048x128xf32, #tpu.memory_space<vmem_shared>>
      tpu.enqueue_indirect_dma source(%dma_start3A_205 : memref<100x128xf32, #tpu.memory_space<vmem>>) target(%dma_start3A_211 : memref<2048x128xf32, #tpu.memory_space<vmem_shared>>) offsets(%dma_start3A_208 : memref<100xi32, #tpu.memory_space<vmem>>) semaphore(%arg16 : memref<!tpu.dma_semaphore, #tpu.memory_space<semaphore_mem>>) {add = true}
      %mul3A_212 = arith.constant 4 : i32
      %mul3A_213 = arith.muli %scan3A_112, %mul3A_212 : i32
      %add3A_214 = arith.constant 2 : i32
      %add3A_215 = arith.addi %mul3A_213, %add3A_214 : i32
      %sub3A_216 = arith.constant 1 : i32
      %sub3A_217 = arith.subi %add3A_215, %sub3A_216 : i32
      %dma_wait3A_218 = arith.constant 1 : i32
      %dma_wait3A_219 = arith.constant 0 : i32
      %dma_wait3A_220 = arith.constant 0 : i32
      %dma_wait3A_221 = tpu.memref_slice %arg8[%dma_wait3A_218, %dma_wait3A_219, %dma_wait3A_220] : memref<4x100x128xf32, #tpu.memory_space<vmem>> -> memref<1x100x128xf32, #tpu.memory_space<vmem>>
      %dma_wait3A_222 = tpu.memref_squeeze %dma_wait3A_221 : memref<1x100x128xf32, #tpu.memory_space<vmem>> -> memref<100x128xf32, #tpu.memory_space<vmem>>
      %dma_wait3A_223 = arith.constant 0 : i32
      %dma_wait3A_224 = tpu.memref_slice %arg7[%sub3A_217, %dma_wait3A_223] : memref<64x100xi32, #tpu.memory_space<vmem>> -> memref<1x100xi32, #tpu.memory_space<vmem>>
      %dma_wait3A_225 = tpu.memref_squeeze %dma_wait3A_224 : memref<1x100xi32, #tpu.memory_space<vmem>> -> memref<100xi32, #tpu.memory_space<vmem>>
      %dma_wait3A_226 = arith.constant 0 : i32
      %dma_wait3A_227 = arith.constant 0 : i32
      %dma_wait3A_228 = tpu.memref_slice %arg10[%dma_wait3A_226, %dma_wait3A_227] : memref<2048x128xf32, #tpu.memory_space<vmem_shared>> -> memref<2048x128xf32, #tpu.memory_space<vmem_shared>>
      tpu.wait_indirect_dma semaphore(%arg16 : memref<!tpu.dma_semaphore, #tpu.memory_space<semaphore_mem>>) src(%dma_wait3A_222 : memref<100x128xf32, #tpu.memory_space<vmem>>) dst(%dma_wait3A_228 : memref<2048x128xf32, #tpu.memory_space<vmem_shared>>)
      %add3A_229 = arith.constant 4 : i32
      %add3A_230 = arith.addi %add3A_215, %add3A_229 : i32
      %sub3A_231 = arith.constant 1 : i32
      %sub3A_232 = arith.subi %add3A_230, %sub3A_231 : i32
      %min3A_233 = arith.constant 63 : i32
      %min3A_234 = arith.minsi %sub3A_232, %min3A_233 : i32
      %dma_start3A_235 = arith.constant 1 : i32
      %dma_start3A_236 = arith.constant 0 : i32
      %dma_start3A_237 = arith.constant 0 : i32
      %dma_start3A_238 = tpu.memref_slice %arg8[%dma_start3A_235, %dma_start3A_236, %dma_start3A_237] : memref<4x100x128xf32, #tpu.memory_space<vmem>> -> memref<1x100x128xf32, #tpu.memory_space<vmem>>
      %dma_start3A_239 = tpu.memref_squeeze %dma_start3A_238 : memref<1x100x128xf32, #tpu.memory_space<vmem>> -> memref<100x128xf32, #tpu.memory_space<vmem>>
      %dma_start3A_240 = arith.constant 0 : i32
      %dma_start3A_241 = tpu.memref_slice %arg6[%min3A_234, %dma_start3A_240] : memref<64x100xi32, #tpu.memory_space<vmem>> -> memref<1x100xi32, #tpu.memory_space<vmem>>
      %dma_start3A_242 = tpu.memref_squeeze %dma_start3A_241 : memref<1x100xi32, #tpu.memory_space<vmem>> -> memref<100xi32, #tpu.memory_space<vmem>>
      %dma_start3A_243 = arith.constant 0 : i32
      %dma_start3A_244 = arith.constant 0 : i32
      %dma_start3A_245 = tpu.memref_slice %arg4[%dma_start3A_243, %dma_start3A_244] : memref<100000x128xf32, #tpu.memory_space<hbm>> -> memref<100000x128xf32, #tpu.memory_space<hbm>>
      tpu.enqueue_indirect_dma source(%dma_start3A_245 : memref<100000x128xf32, #tpu.memory_space<hbm>>) target(%dma_start3A_239 : memref<100x128xf32, #tpu.memory_space<vmem>>) offsets(%dma_start3A_242 : memref<100xi32, #tpu.memory_space<vmem>>) semaphore(%arg12 : memref<!tpu.dma_semaphore, #tpu.memory_space<semaphore_mem>>)
      %dma_wait3A_246 = arith.constant 2 : i32
      %dma_wait3A_247 = arith.constant 0 : i32
      %dma_wait3A_248 = arith.constant 0 : i32
      %dma_wait3A_249 = tpu.memref_slice %arg8[%dma_wait3A_246, %dma_wait3A_247, %dma_wait3A_248] : memref<4x100x128xf32, #tpu.memory_space<vmem>> -> memref<1x100x128xf32, #tpu.memory_space<vmem>>
      %dma_wait3A_250 = tpu.memref_squeeze %dma_wait3A_249 : memref<1x100x128xf32, #tpu.memory_space<vmem>> -> memref<100x128xf32, #tpu.memory_space<vmem>>
      %dma_wait3A_251 = arith.constant 0 : i32
      %dma_wait3A_252 = tpu.memref_slice %arg6[%add3A_215, %dma_wait3A_251] : memref<64x100xi32, #tpu.memory_space<vmem>> -> memref<1x100xi32, #tpu.memory_space<vmem>>
      %dma_wait3A_253 = tpu.memref_squeeze %dma_wait3A_252 : memref<1x100xi32, #tpu.memory_space<vmem>> -> memref<100xi32, #tpu.memory_space<vmem>>
      %dma_wait3A_254 = arith.constant 0 : i32
      %dma_wait3A_255 = arith.constant 0 : i32
      %dma_wait3A_256 = tpu.memref_slice %arg4[%dma_wait3A_254, %dma_wait3A_255] : memref<100000x128xf32, #tpu.memory_space<hbm>> -> memref<100000x128xf32, #tpu.memory_space<hbm>>
      tpu.wait_indirect_dma semaphore(%arg13 : memref<!tpu.dma_semaphore, #tpu.memory_space<semaphore_mem>>) src(%dma_wait3A_256 : memref<100000x128xf32, #tpu.memory_space<hbm>>) dst(%dma_wait3A_250 : memref<100x128xf32, #tpu.memory_space<vmem>>)
      %dma_start3A_257 = arith.constant 2 : i32
      %dma_start3A_258 = arith.constant 0 : i32
      %dma_start3A_259 = arith.constant 0 : i32
      %dma_start3A_260 = tpu.memref_slice %arg8[%dma_start3A_257, %dma_start3A_258, %dma_start3A_259] : memref<4x100x128xf32, #tpu.memory_space<vmem>> -> memref<1x100x128xf32, #tpu.memory_space<vmem>>
      %dma_start3A_261 = tpu.memref_squeeze %dma_start3A_260 : memref<1x100x128xf32, #tpu.memory_space<vmem>> -> memref<100x128xf32, #tpu.memory_space<vmem>>
      %dma_start3A_262 = arith.constant 0 : i32
      %dma_start3A_263 = tpu.memref_slice %arg7[%add3A_215, %dma_start3A_262] : memref<64x100xi32, #tpu.memory_space<vmem>> -> memref<1x100xi32, #tpu.memory_space<vmem>>
      %dma_start3A_264 = tpu.memref_squeeze %dma_start3A_263 : memref<1x100xi32, #tpu.memory_space<vmem>> -> memref<100xi32, #tpu.memory_space<vmem>>
      %dma_start3A_265 = arith.constant 0 : i32
      %dma_start3A_266 = arith.constant 0 : i32
      %dma_start3A_267 = tpu.memref_slice %arg10[%dma_start3A_265, %dma_start3A_266] : memref<2048x128xf32, #tpu.memory_space<vmem_shared>> -> memref<2048x128xf32, #tpu.memory_space<vmem_shared>>
      tpu.enqueue_indirect_dma source(%dma_start3A_261 : memref<100x128xf32, #tpu.memory_space<vmem>>) target(%dma_start3A_267 : memref<2048x128xf32, #tpu.memory_space<vmem_shared>>) offsets(%dma_start3A_264 : memref<100xi32, #tpu.memory_space<vmem>>) semaphore(%arg17 : memref<!tpu.dma_semaphore, #tpu.memory_space<semaphore_mem>>) {add = true}
      %mul3A_268 = arith.constant 4 : i32
      %mul3A_269 = arith.muli %scan3A_112, %mul3A_268 : i32
      %add3A_270 = arith.constant 3 : i32
      %add3A_271 = arith.addi %mul3A_269, %add3A_270 : i32
      %sub3A_272 = arith.constant 1 : i32
      %sub3A_273 = arith.subi %add3A_271, %sub3A_272 : i32
      %dma_wait3A_274 = arith.constant 2 : i32
      %dma_wait3A_275 = arith.constant 0 : i32
      %dma_wait3A_276 = arith.constant 0 : i32
      %dma_wait3A_277 = tpu.memref_slice %arg8[%dma_wait3A_274, %dma_wait3A_275, %dma_wait3A_276] : memref<4x100x128xf32, #tpu.memory_space<vmem>> -> memref<1x100x128xf32, #tpu.memory_space<vmem>>
      %dma_wait3A_278 = tpu.memref_squeeze %dma_wait3A_277 : memref<1x100x128xf32, #tpu.memory_space<vmem>> -> memref<100x128xf32, #tpu.memory_space<vmem>>
      %dma_wait3A_279 = arith.constant 0 : i32
      %dma_wait3A_280 = tpu.memref_slice %arg7[%sub3A_273, %dma_wait3A_279] : memref<64x100xi32, #tpu.memory_space<vmem>> -> memref<1x100xi32, #tpu.memory_space<vmem>>
      %dma_wait3A_281 = tpu.memref_squeeze %dma_wait3A_280 : memref<1x100xi32, #tpu.memory_space<vmem>> -> memref<100xi32, #tpu.memory_space<vmem>>
      %dma_wait3A_282 = arith.constant 0 : i32
      %dma_wait3A_283 = arith.constant 0 : i32
      %dma_wait3A_284 = tpu.memref_slice %arg10[%dma_wait3A_282, %dma_wait3A_283] : memref<2048x128xf32, #tpu.memory_space<vmem_shared>> -> memref<2048x128xf32, #tpu.memory_space<vmem_shared>>
      tpu.wait_indirect_dma semaphore(%arg17 : memref<!tpu.dma_semaphore, #tpu.memory_space<semaphore_mem>>) src(%dma_wait3A_278 : memref<100x128xf32, #tpu.memory_space<vmem>>) dst(%dma_wait3A_284 : memref<2048x128xf32, #tpu.memory_space<vmem_shared>>)
      %add3A_285 = arith.constant 4 : i32
      %add3A_286 = arith.addi %add3A_271, %add3A_285 : i32
      %sub3A_287 = arith.constant 1 : i32
      %sub3A_288 = arith.subi %add3A_286, %sub3A_287 : i32
      %min3A_289 = arith.constant 63 : i32
      %min3A_290 = arith.minsi %sub3A_288, %min3A_289 : i32
      %dma_start3A_291 = arith.constant 2 : i32
      %dma_start3A_292 = arith.constant 0 : i32
      %dma_start3A_293 = arith.constant 0 : i32
      %dma_start3A_294 = tpu.memref_slice %arg8[%dma_start3A_291, %dma_start3A_292, %dma_start3A_293] : memref<4x100x128xf32, #tpu.memory_space<vmem>> -> memref<1x100x128xf32, #tpu.memory_space<vmem>>
      %dma_start3A_295 = tpu.memref_squeeze %dma_start3A_294 : memref<1x100x128xf32, #tpu.memory_space<vmem>> -> memref<100x128xf32, #tpu.memory_space<vmem>>
      %dma_start3A_296 = arith.constant 0 : i32
      %dma_start3A_297 = tpu.memref_slice %arg6[%min3A_290, %dma_start3A_296] : memref<64x100xi32, #tpu.memory_space<vmem>> -> memref<1x100xi32, #tpu.memory_space<vmem>>
      %dma_start3A_298 = tpu.memref_squeeze %dma_start3A_297 : memref<1x100xi32, #tpu.memory_space<vmem>> -> memref<100xi32, #tpu.memory_space<vmem>>
      %dma_start3A_299 = arith.constant 0 : i32
      %dma_start3A_300 = arith.constant 0 : i32
      %dma_start3A_301 = tpu.memref_slice %arg4[%dma_start3A_299, %dma_start3A_300] : memref<100000x128xf32, #tpu.memory_space<hbm>> -> memref<100000x128xf32, #tpu.memory_space<hbm>>
      tpu.enqueue_indirect_dma source(%dma_start3A_301 : memref<100000x128xf32, #tpu.memory_space<hbm>>) target(%dma_start3A_295 : memref<100x128xf32, #tpu.memory_space<vmem>>) offsets(%dma_start3A_298 : memref<100xi32, #tpu.memory_space<vmem>>) semaphore(%arg13 : memref<!tpu.dma_semaphore, #tpu.memory_space<semaphore_mem>>)
      %dma_wait3A_302 = arith.constant 3 : i32
      %dma_wait3A_303 = arith.constant 0 : i32
      %dma_wait3A_304 = arith.constant 0 : i32
      %dma_wait3A_305 = tpu.memref_slice %arg8[%dma_wait3A_302, %dma_wait3A_303, %dma_wait3A_304] : memref<4x100x128xf32, #tpu.memory_space<vmem>> -> memref<1x100x128xf32, #tpu.memory_space<vmem>>
      %dma_wait3A_306 = tpu.memref_squeeze %dma_wait3A_305 : memref<1x100x128xf32, #tpu.memory_space<vmem>> -> memref<100x128xf32, #tpu.memory_space<vmem>>
      %dma_wait3A_307 = arith.constant 0 : i32
      %dma_wait3A_308 = tpu.memref_slice %arg6[%add3A_271, %dma_wait3A_307] : memref<64x100xi32, #tpu.memory_space<vmem>> -> memref<1x100xi32, #tpu.memory_space<vmem>>
      %dma_wait3A_309 = tpu.memref_squeeze %dma_wait3A_308 : memref<1x100xi32, #tpu.memory_space<vmem>> -> memref<100xi32, #tpu.memory_space<vmem>>
      %dma_wait3A_310 = arith.constant 0 : i32
      %dma_wait3A_311 = arith.constant 0 : i32
      %dma_wait3A_312 = tpu.memref_slice %arg4[%dma_wait3A_310, %dma_wait3A_311] : memref<100000x128xf32, #tpu.memory_space<hbm>> -> memref<100000x128xf32, #tpu.memory_space<hbm>>
      tpu.wait_indirect_dma semaphore(%arg14 : memref<!tpu.dma_semaphore, #tpu.memory_space<semaphore_mem>>) src(%dma_wait3A_312 : memref<100000x128xf32, #tpu.memory_space<hbm>>) dst(%dma_wait3A_306 : memref<100x128xf32, #tpu.memory_space<vmem>>)
      %dma_start3A_313 = arith.constant 3 : i32
      %dma_start3A_314 = arith.constant 0 : i32
      %dma_start3A_315 = arith.constant 0 : i32
      %dma_start3A_316 = tpu.memref_slice %arg8[%dma_start3A_313, %dma_start3A_314, %dma_start3A_315] : memref<4x100x128xf32, #tpu.memory_space<vmem>> -> memref<1x100x128xf32, #tpu.memory_space<vmem>>
      %dma_start3A_317 = tpu.memref_squeeze %dma_start3A_316 : memref<1x100x128xf32, #tpu.memory_space<vmem>> -> memref<100x128xf32, #tpu.memory_space<vmem>>
      %dma_start3A_318 = arith.constant 0 : i32
      %dma_start3A_319 = tpu.memref_slice %arg7[%add3A_271, %dma_start3A_318] : memref<64x100xi32, #tpu.memory_space<vmem>> -> memref<1x100xi32, #tpu.memory_space<vmem>>
      %dma_start3A_320 = tpu.memref_squeeze %dma_start3A_319 : memref<1x100xi32, #tpu.memory_space<vmem>> -> memref<100xi32, #tpu.memory_space<vmem>>
      %dma_start3A_321 = arith.constant 0 : i32
      %dma_start3A_322 = arith.constant 0 : i32
      %dma_start3A_323 = tpu.memref_slice %arg10[%dma_start3A_321, %dma_start3A_322] : memref<2048x128xf32, #tpu.memory_space<vmem_shared>> -> memref<2048x128xf32, #tpu.memory_space<vmem_shared>>
      tpu.enqueue_indirect_dma source(%dma_start3A_317 : memref<100x128xf32, #tpu.memory_space<vmem>>) target(%dma_start3A_323 : memref<2048x128xf32, #tpu.memory_space<vmem_shared>>) offsets(%dma_start3A_320 : memref<100xi32, #tpu.memory_space<vmem>>) semaphore(%arg18 : memref<!tpu.dma_semaphore, #tpu.memory_space<semaphore_mem>>) {add = true}
    }
    %scan3A_56 = arith.constant 16 : i32
    %dma_wait3A = arith.constant 3 : i32
    %dma_wait3A_57 = arith.constant 63 : i32
    %dma_wait3A_58 = arith.constant 0 : i32
    %dma_wait3A_59 = arith.constant 0 : i32
    %dma_wait3A_60 = tpu.memref_slice %arg8[%dma_wait3A, %dma_wait3A_58, %dma_wait3A_59] : memref<4x100x128xf32, #tpu.memory_space<vmem>> -> memref<1x100x128xf32, #tpu.memory_space<vmem>>
    %dma_wait3A_61 = tpu.memref_squeeze %dma_wait3A_60 : memref<1x100x128xf32, #tpu.memory_space<vmem>> -> memref<100x128xf32, #tpu.memory_space<vmem>>
    %dma_wait3A_62 = arith.constant 0 : i32
    %dma_wait3A_63 = tpu.memref_slice %arg7[%dma_wait3A_57, %dma_wait3A_62] : memref<64x100xi32, #tpu.memory_space<vmem>> -> memref<1x100xi32, #tpu.memory_space<vmem>>
    %dma_wait3A_64 = tpu.memref_squeeze %dma_wait3A_63 : memref<1x100xi32, #tpu.memory_space<vmem>> -> memref<100xi32, #tpu.memory_space<vmem>>
    %dma_wait3A_65 = arith.constant 0 : i32
    %dma_wait3A_66 = arith.constant 0 : i32
    %dma_wait3A_67 = tpu.memref_slice %arg10[%dma_wait3A_65, %dma_wait3A_66] : memref<2048x128xf32, #tpu.memory_space<vmem_shared>> -> memref<2048x128xf32, #tpu.memory_space<vmem_shared>>
    tpu.wait_indirect_dma semaphore(%arg18 : memref<!tpu.dma_semaphore, #tpu.memory_space<semaphore_mem>>) src(%dma_wait3A_61 : memref<100x128xf32, #tpu.memory_space<vmem>>) dst(%dma_wait3A_67 : memref<2048x128xf32, #tpu.memory_space<vmem_shared>>)
    %dma_wait3A_68 = arith.constant 63 : i32
    %dma_wait3A_69 = arith.constant 0 : i32
    %dma_wait3A_70 = arith.constant 0 : i32
    %dma_wait3A_71 = arith.constant 0 : i32
    %dma_wait3A_72 = tpu.memref_slice %arg8[%dma_wait3A_69, %dma_wait3A_70, %dma_wait3A_71] : memref<4x100x128xf32, #tpu.memory_space<vmem>> -> memref<1x100x128xf32, #tpu.memory_space<vmem>>
    %dma_wait3A_73 = tpu.memref_squeeze %dma_wait3A_72 : memref<1x100x128xf32, #tpu.memory_space<vmem>> -> memref<100x128xf32, #tpu.memory_space<vmem>>
    %dma_wait3A_74 = arith.constant 0 : i32
    %dma_wait3A_75 = tpu.memref_slice %arg6[%dma_wait3A_68, %dma_wait3A_74] : memref<64x100xi32, #tpu.memory_space<vmem>> -> memref<1x100xi32, #tpu.memory_space<vmem>>
    %dma_wait3A_76 = tpu.memref_squeeze %dma_wait3A_75 : memref<1x100xi32, #tpu.memory_space<vmem>> -> memref<100xi32, #tpu.memory_space<vmem>>
    %dma_wait3A_77 = arith.constant 0 : i32
    %dma_wait3A_78 = arith.constant 0 : i32
    %dma_wait3A_79 = tpu.memref_slice %arg4[%dma_wait3A_77, %dma_wait3A_78] : memref<100000x128xf32, #tpu.memory_space<hbm>> -> memref<100000x128xf32, #tpu.memory_space<hbm>>
    tpu.wait_indirect_dma semaphore(%arg11 : memref<!tpu.dma_semaphore, #tpu.memory_space<semaphore_mem>>) src(%dma_wait3A_79 : memref<100000x128xf32, #tpu.memory_space<hbm>>) dst(%dma_wait3A_73 : memref<100x128xf32, #tpu.memory_space<vmem>>)
    %dma_wait3A_80 = arith.constant 63 : i32
    %dma_wait3A_81 = arith.constant 1 : i32
    %dma_wait3A_82 = arith.constant 0 : i32
    %dma_wait3A_83 = arith.constant 0 : i32
    %dma_wait3A_84 = tpu.memref_slice %arg8[%dma_wait3A_81, %dma_wait3A_82, %dma_wait3A_83] : memref<4x100x128xf32, #tpu.memory_space<vmem>> -> memref<1x100x128xf32, #tpu.memory_space<vmem>>
    %dma_wait3A_85 = tpu.memref_squeeze %dma_wait3A_84 : memref<1x100x128xf32, #tpu.memory_space<vmem>> -> memref<100x128xf32, #tpu.memory_space<vmem>>
    %dma_wait3A_86 = arith.constant 0 : i32
    %dma_wait3A_87 = tpu.memref_slice %arg6[%dma_wait3A_80, %dma_wait3A_86] : memref<64x100xi32, #tpu.memory_space<vmem>> -> memref<1x100xi32, #tpu.memory_space<vmem>>
    %dma_wait3A_88 = tpu.memref_squeeze %dma_wait3A_87 : memref<1x100xi32, #tpu.memory_space<vmem>> -> memref<100xi32, #tpu.memory_space<vmem>>
    %dma_wait3A_89 = arith.constant 0 : i32
    %dma_wait3A_90 = arith.constant 0 : i32
    %dma_wait3A_91 = tpu.memref_slice %arg4[%dma_wait3A_89, %dma_wait3A_90] : memref<100000x128xf32, #tpu.memory_space<hbm>> -> memref<100000x128xf32, #tpu.memory_space<hbm>>
    tpu.wait_indirect_dma semaphore(%arg12 : memref<!tpu.dma_semaphore, #tpu.memory_space<semaphore_mem>>) src(%dma_wait3A_91 : memref<100000x128xf32, #tpu.memory_space<hbm>>) dst(%dma_wait3A_85 : memref<100x128xf32, #tpu.memory_space<vmem>>)
    %dma_wait3A_92 = arith.constant 63 : i32
    %dma_wait3A_93 = arith.constant 2 : i32
    %dma_wait3A_94 = arith.constant 0 : i32
    %dma_wait3A_95 = arith.constant 0 : i32
    %dma_wait3A_96 = tpu.memref_slice %arg8[%dma_wait3A_93, %dma_wait3A_94, %dma_wait3A_95] : memref<4x100x128xf32, #tpu.memory_space<vmem>> -> memref<1x100x128xf32, #tpu.memory_space<vmem>>
    %dma_wait3A_97 = tpu.memref_squeeze %dma_wait3A_96 : memref<1x100x128xf32, #tpu.memory_space<vmem>> -> memref<100x128xf32, #tpu.memory_space<vmem>>
    %dma_wait3A_98 = arith.constant 0 : i32
    %dma_wait3A_99 = tpu.memref_slice %arg6[%dma_wait3A_92, %dma_wait3A_98] : memref<64x100xi32, #tpu.memory_space<vmem>> -> memref<1x100xi32, #tpu.memory_space<vmem>>
    %dma_wait3A_100 = tpu.memref_squeeze %dma_wait3A_99 : memref<1x100xi32, #tpu.memory_space<vmem>> -> memref<100xi32, #tpu.memory_space<vmem>>
    %dma_wait3A_101 = arith.constant 0 : i32
    %dma_wait3A_102 = arith.constant 0 : i32
    %dma_wait3A_103 = tpu.memref_slice %arg4[%dma_wait3A_101, %dma_wait3A_102] : memref<100000x128xf32, #tpu.memory_space<hbm>> -> memref<100000x128xf32, #tpu.memory_space<hbm>>
    tpu.wait_indirect_dma semaphore(%arg13 : memref<!tpu.dma_semaphore, #tpu.memory_space<semaphore_mem>>) src(%dma_wait3A_103 : memref<100000x128xf32, #tpu.memory_space<hbm>>) dst(%dma_wait3A_97 : memref<100x128xf32, #tpu.memory_space<vmem>>)
    %mul3A_104 = arith.constant 128 : i32
    %mul3A_105 = arith.muli %arg1, %mul3A_104 : i32
    %mul3A_106 = arith.constant 1 : i32
    %mul3A_107 = arith.muli %mul3A_105, %mul3A_106 : i32
    %mul3A_108 = arith.constant 128 : i32
    %mul3A_109 = arith.muli %add3A, %mul3A_108 : i32
    %mul3A_110 = arith.constant 1 : i32
    %mul3A_111 = arith.muli %mul3A_109, %mul3A_110 : i32
    "tpu.region"() ({
      %run_scoped3A = tpu.sem_alloc : memref<!tpu.dma_semaphore, #tpu.memory_space<semaphore_mem>>
      %dma_start3A_112 = arith.constant 0 : i32
      %dma_start3A_113 = tpu.memref_slice %arg5[%mul3A_111, %dma_start3A_112] : memref<4096x128xf32, #tpu.memory_space<hbm>> -> memref<128x128xf32, #tpu.memory_space<hbm>>
      %dma_start3A_114 = arith.constant 0 : i32
      %dma_start3A_115 = tpu.memref_slice %arg10[%mul3A_107, %dma_start3A_114] : memref<2048x128xf32, #tpu.memory_space<vmem_shared>> -> memref<128x128xf32, #tpu.memory_space<vmem_shared>>
      tpu.enqueue_dma source(%dma_start3A_115 : memref<128x128xf32, #tpu.memory_space<vmem_shared>>) target(%dma_start3A_113 : memref<128x128xf32, #tpu.memory_space<hbm>>) target_semaphore(%run_scoped3A : memref<!tpu.dma_semaphore, #tpu.memory_space<semaphore_mem>>)
      %dma_wait3A_116 = arith.constant 0 : i32
      %dma_wait3A_117 = tpu.memref_slice %arg5[%mul3A_111, %dma_wait3A_116] : memref<4096x128xf32, #tpu.memory_space<hbm>> -> memref<128x128xf32, #tpu.memory_space<hbm>>
      %dma_wait3A_118 = arith.constant 0 : i32
      %dma_wait3A_119 = tpu.memref_slice %arg10[%mul3A_107, %dma_wait3A_118] : memref<2048x128xf32, #tpu.memory_space<vmem_shared>> -> memref<128x128xf32, #tpu.memory_space<vmem_shared>>
      tpu.wait_dma2 semaphore(%run_scoped3A : memref<!tpu.dma_semaphore, #tpu.memory_space<semaphore_mem>>) src(%dma_wait3A_119 : memref<128x128xf32, #tpu.memory_space<vmem_shared>>) dst(%dma_wait3A_117 : memref<128x128xf32, #tpu.memory_space<hbm>>)
      tpu.yield
    }) : () -> ()
    return
  }
}

module attributes {stable_mosaic.version = 14 : i64} {
  func.func @_fc_body(%arg0: memref<4096x1x128xf32, #tpu.memory_space<vmem>>, %arg1: memref<4096x50xi32, #tpu.memory_space<vmem>>, %arg2: memref<4096x32xf32, #tpu.memory_space<vmem>>, %arg3: memref<128x16xf32, #tpu.memory_space<vmem>>, %arg4: memref<32x16xf32, #tpu.memory_space<vmem>>, %arg5: memref<1x16xf32, #tpu.memory_space<vmem>>, %arg6: memref<4096x16xf32, #tpu.memory_space<vmem>>) attributes {dimension_semantics = [], scalar_prefetch = 0 : i64, scratch_operands = 0 : i64, tpu.core_type = #tpu.core_type<tc>} {
    %get3A = arith.constant 0 : index
    %get3A_0 = arith.constant 0 : index
    %get3A_1 = vector.load %arg1[%get3A, %get3A_0] : memref<4096x50xi32, #tpu.memory_space<vmem>>, vector<4096x50xi32>
    %ne3A = arith.constant 0 : i32
    %ne3A_2 = vector.broadcast %ne3A : i32 to vector<4096x50xi32>
    %ne3A_3 = arith.cmpi ne, %get3A_1, %ne3A_2 : vector<4096x50xi32>
    %jit3A = arith.constant 1.000000e+00 : f32
    %jit3A_4 = arith.constant 0.000000e+00 : f32
    %broadcast_in_dim3A = vector.broadcast %jit3A : f32 to vector<4096x50xf32>
    %broadcast_in_dim3A_5 = vector.broadcast %jit3A_4 : f32 to vector<4096x50xf32>
    %select_n3A = arith.select %ne3A_3, %broadcast_in_dim3A, %broadcast_in_dim3A_5 : vector<4096x50xi1>, vector<4096x50xf32>
    %reduce_sum3A = arith.constant dense<0.000000e+00> : vector<4096xf32>
    %reduce_sum3A_6 = vector.multi_reduction <add>, %select_n3A, %reduce_sum3A [1] : vector<4096x50xf32> to vector<4096xf32>
    %broadcast_in_dim3A_7 = vector.shape_cast %reduce_sum3A_6 : vector<4096xf32> to vector<4096x1xf32>
    %get3A_8 = arith.constant 0 : index
    %get3A_9 = arith.constant 0 : index
    %get3A_10 = arith.constant 0 : index
    %get3A_11 = vector.load %arg0[%get3A_8, %get3A_9, %get3A_10] : memref<4096x1x128xf32, #tpu.memory_space<vmem>>, vector<4096x1x128xf32>
    %reduce_sum3A_12 = arith.constant dense<0.000000e+00> : vector<4096x128xf32>
    %reduce_sum3A_13 = vector.multi_reduction <add>, %get3A_11, %reduce_sum3A_12 [1] : vector<4096x1x128xf32> to vector<4096x128xf32>
    %max3A = arith.constant 1.000000e+00 : f32
    %max3A_14 = vector.broadcast %max3A : f32 to vector<4096x1xf32>
    %max3A_15 = arith.maximumf %broadcast_in_dim3A_7, %max3A_14 : vector<4096x1xf32>
    %div3A = arith.constant 1.000000e+00 : f32
    %div3A_16 = vector.broadcast %div3A : f32 to vector<4096x1xf32>
    %div3A_17 = arith.divf %div3A_16, %max3A_15 : vector<4096x1xf32>
    %mul3A = vector.broadcast %div3A_17 : vector<4096x1xf32> to vector<4096x128xf32>
    %mul3A_18 = arith.mulf %reduce_sum3A_13, %mul3A : vector<4096x128xf32>
    %get3A_19 = arith.constant 0 : index
    %get3A_20 = arith.constant 0 : index
    %get3A_21 = vector.load %arg3[%get3A_19, %get3A_20] : memref<128x16xf32, #tpu.memory_space<vmem>>, vector<128x16xf32>
    %dot_general3A = arith.constant dense<0.000000e+00> : vector<4096x16xf32>
    %dot_general3A_22 = tpu.matmul %mul3A_18, %get3A_21, %dot_general3A {dimension_numbers = #tpu.dot_dimension_numbers<[1], [0], [0], [1], [0, 0, 1, 1], [], []>, transpose_lhs_hint = false} : vector<4096x128xf32>, vector<128x16xf32>, vector<4096x16xf32> -> vector<4096x16xf32>
    %get3A_23 = arith.constant 0 : index
    %get3A_24 = arith.constant 0 : index
    %get3A_25 = vector.load %arg2[%get3A_23, %get3A_24] : memref<4096x32xf32, #tpu.memory_space<vmem>>, vector<4096x32xf32>
    %get3A_26 = arith.constant 0 : index
    %get3A_27 = arith.constant 0 : index
    %get3A_28 = vector.load %arg4[%get3A_26, %get3A_27] : memref<32x16xf32, #tpu.memory_space<vmem>>, vector<32x16xf32>
    %dot_general3A_29 = arith.constant dense<0.000000e+00> : vector<4096x16xf32>
    %dot_general3A_30 = tpu.matmul %get3A_25, %get3A_28, %dot_general3A_29 {dimension_numbers = #tpu.dot_dimension_numbers<[1], [0], [0], [1], [0, 0, 1, 1], [], []>, transpose_lhs_hint = false} : vector<4096x32xf32>, vector<32x16xf32>, vector<4096x16xf32> -> vector<4096x16xf32>
    %add3A = arith.addf %dot_general3A_22, %dot_general3A_30 : vector<4096x16xf32>
    %get3A_31 = arith.constant 0 : index
    %get3A_32 = arith.constant 0 : index
    %get3A_33 = vector.load %arg5[%get3A_31, %get3A_32] : memref<1x16xf32, #tpu.memory_space<vmem>>, vector<1x16xf32>
    %add3A_34 = vector.broadcast %get3A_33 : vector<1x16xf32> to vector<4096x16xf32>
    %add3A_35 = arith.addf %add3A, %add3A_34 : vector<4096x16xf32>
    %swap3A = arith.constant 0 : index
    %swap3A_36 = arith.constant 0 : index
    %swap3A_37 = vector.load %arg6[%swap3A, %swap3A_36] : memref<4096x16xf32, #tpu.memory_space<vmem>>, vector<4096x16xf32>
    tpu.vector_store %arg6[%swap3A, %swap3A_36], %add3A_35 {strides = array<i32>} : memref<4096x16xf32, #tpu.memory_space<vmem>>, vector<4096x16xf32>,
    return
  }
}

</mosaic_0001>

<sc_bundles>
// kernel: kernel.4.cloned.1.call-start
scs
__scs_entry_jumppad:
0x0: {  	(pc) =	sbr.rel $0x88, $3  }
0x1: {  	(tag) =	ssettag $0x0;
	lr =	simm.s32 $0x1  }
0x2: {  	[smem:$0x3F9C] =	sst lr;
	_ =	strace $0xD0000000  }
0x3: {  	_ = 	snop  }
0x4: {  	_ = 	snop  }
0x5: {  	_ = 	snop  }
0x6: {  	_ = 	snop  }
0x7: {  	_ = 	snop  }
__scs_overlays_trampoline_lowered:
0x8: {  	[smem:$0x3FAB] =	sst s0  }
0x9: {  	[smem:$0x3FAC] =	sst s1  }
0xa: {  	[smem:$0x3FAD] =	sst s2  }
0xb: {  	[smem:$0x3FAE] =	sst s3  }
0xc: {  	[smem:$0x3FAF] =	sst s4  }
0xd: {  	[smem:$0x3FB0] =	sst s5  }
0xe: {  	[smem:$0x3FB1] =	sst s6  }
0xf: {  	[smem:$0x3FB2] =	sst s7  }
0x10: {  	[smem:$0x3FB3] =	sst s8  }
0x11: {  	[smem:$0x3FB4] =	sst s9;
	s0 =	simm.s32 @!p0 $0x0  }
0x12: {  	s1 =	sld [smem:$0x3F9A];
	s0 =	simm.s32 @p0 $0x1  }
0x13: {  	[smem:$0x3FB5] =	sst s0;
	s0 =	simm.s32 @!p1 $0x0  }
0x14: {  	s2 =	sld [smem:$0x3F99];
	s0 =	simm.s32 @p1 $0x1  }
0x15: {  	[smem:$0x3FB6] =	sst s0;
	s0 =	simm.s32 @!p2 $0x0  }
0x16: {  	s3 =	sld [smem:$0x3FDB];
	s0 =	simm.s32 @p2 $0x1  }
0x17: {  	s4 =	simm.s32 $0x1BF5;
	[smem:$0x3FB8] =	sst s0  }
0x18: {  	s0 =	sld [smem:$0x3F9B];
	_ =	swait.ge [sflag:s4], $0x0  }
0x19: {  	s7 =	sld [smem:$0x3F9C]  }
0x1a: {  	s8 =	sadd.s32 $0xFFFFE003, lr  }
0x1b: {  	s9 =	sadd.s32 $0xFFFFFEF7, lr;
	s5 =	simm.s32 $0xFFFFFFFF;
	p2 =	slt.u32 s8, $0xFFFFF086  }
0x1c: {  	p1 =	slt.u32 s9, $0xF7A;
	s5 =	simm.s32 @!p2 $0x0  }
0x1d: {  	s5 =	simm.s32 @p1 $0x1;
	p0 =	seq.s32 s7, s2  }
0x1e: {  	s7 =	smul.u32 @!p0 $0xF7A, s2;
	p2 =	seq.s32 @!p0 s5, $0x0  }
0x1f: {  	s9 =	smul.u32 $0xF7A, s1;
	s8 =	simm.s32 @!p0 $0x1BF5;
	p2 =	por !p2, p0  }
0x20: {  	[sflag:s8] =	ssyncset.s32 @!p0 $0xFFFFF086;
	s6 =	sadd.s32 @!p0 s3, s7;
	s7 =	simm.s32 @!p0 $0x108  }
0x21: {  	s3 =	sadd.s32 s3, s9;
	s6 =	sadd.s32 @!p0 $0x88, s6;
	s7 =	simm.s32 @p2 $0x1082  }
0x22: {  	[simem:s7], [sflag:s8] =	dma.local @!p0 [hbm:s6], $0xF7A  }
0x23: {  	s9 =	sor.u32 $0xD0000000, s2;
	s6 =	simm.s32 $0x108;
	_ =	swait.ge @!p0 [sflag:s8], $0x0  }
0x24: {  	s3 =	sadd.s32 $0x88, s3;
	s6 =	simm.s32 @!p1 $0x1082;
	[sflag:s4] =	ssyncset.s32 $0xFFFFF086  }
0x25: {  	[simem:s6], [sflag:s4] =	dma.local [hbm:s3], $0xF7A  }
0x26: {  	[smem:$0x3F9C] =	sst s1;
	(tag) =	ssettag s2;
	_ =	strace s9  }
0x27: {  	s1 =	sld [smem:$0x3FAC]  }
0x28: {  	s2 =	sld [smem:$0x3FAD]  }
0x29: {  	s4 =	sld [smem:$0x3FAF]  }
0x2a: {  	p0 =	seq.s32 s5, $0x0;
	s5 =	sld [smem:$0x3FB0]  }
0x2b: {  	s6 =	sld [smem:$0x3FB1]  }
0x2c: {  	s7 =	sld [smem:$0x3FB2]  }
0x2d: {  	s3 =	simm.s32 $0x108;
	s8 =	sld [smem:$0x3FB3]  }
0x2e: {  	s3 =	simm.s32 @!p0 $0x1082;
	s9 =	sld [smem:$0x3FB4]  }
0x2f: {  	lr =	sadd.s32 s0, s3;
	s0 =	sld [smem:$0x3FAB]  }
0x30: {  	s3 =	sld [smem:$0x3FAE]  }
0x31: {  	[smem:$0x3FB7] =	sst s10  }
0x32: {  	s10 =	sld [smem:$0x3FB5];
	_ =	sdelay $0x3  }
0x33: {  	p0 =	seq.s32 s10, $0x1;
	s10 =	sld [smem:$0x3FB7];
	_ =	sdelay $0x3  }
0x34: {  	[smem:$0x3FB7] =	sst s10  }
0x35: {  	s10 =	sld [smem:$0x3FB6];
	_ =	sdelay $0x3  }
0x36: {  	p1 =	seq.s32 s10, $0x1;
	s10 =	sld [smem:$0x3FB7];
	_ =	sdelay $0x3  }
0x37: {  	[smem:$0x3FB7] =	sst s10  }
0x38: {  	s10 =	sld [smem:$0x3FB8]  }
0x39: {  	_ = 	snop;
	(pc) =	sbr.ind lr, $3  }
0x3a: {  	_ = 	snop  }
0x3b: {  	_ = 	snop  }
0x3c: {  	p2 =	seq.s32 s10, $0x1;
	s10 =	sld [smem:$0x3FB7]  }
0x3d: {  	_ =	shalt  }
0x3e: {  	_ =	shalt  }
0x3f: {  	_ =	shalt  }
0x40: {  	_ =	shalt  }
0x41: {  	_ =	shalt  }
0x42: {  	_ =	shalt  }
0x43: {  	_ =	shalt  }
0x44: {  	_ =	shalt  }
0x45: {  	_ =	shalt  }
0x46: {  	_ =	shalt  }
0x47: {  	_ =	shalt  }
0x48: {  	_ =	shalt  }
0x49: {  	_ =	shalt  }
0x4a: {  	_ =	shalt  }
0x4b: {  	_ =	shalt  }
0x4c: {  	_ =	shalt  }
0x4d: {  	_ =	shalt  }
0x4e: {  	_ =	shalt  }
0x4f: {  	_ =	shalt  }
0x50: {  	_ =	shalt  }
0x51: {  	_ =	shalt  }
0x52: {  	_ =	shalt  }
0x53: {  	_ =	shalt  }
0x54: {  	_ =	shalt  }
0x55: {  	_ =	shalt  }
0x56: {  	_ =	shalt  }
0x57: {  	_ =	shalt  }
0x58: {  	_ =	shalt  }
0x59: {  	_ =	shalt  }
0x5a: {  	_ =	shalt  }
0x5b: {  	_ =	shalt  }
0x5c: {  	_ =	shalt  }
0x5d: {  	_ =	shalt  }
0x5e: {  	_ =	shalt  }
0x5f: {  	_ =	shalt  }
0x60: {  	_ =	shalt  }
0x61: {  	_ =	shalt  }
0x62: {  	_ =	shalt  }
0x63: {  	_ =	shalt  }
0x64: {  	_ =	shalt  }
0x65: {  	_ =	shalt  }
0x66: {  	_ =	shalt  }
0x67: {  	_ =	shalt  }
0x68: {  	_ =	shalt  }
0x69: {  	_ =	shalt  }
0x6a: {  	_ =	shalt  }
0x6b: {  	_ =	shalt  }
0x6c: {  	_ =	shalt  }
0x6d: {  	_ =	shalt  }
0x6e: {  	_ =	shalt  }
0x6f: {  	_ =	shalt  }
0x70: {  	_ =	shalt  }
0x71: {  	_ =	shalt  }
0x72: {  	_ =	shalt  }
0x73: {  	_ =	shalt  }
0x74: {  	_ =	shalt  }
0x75: {  	_ =	shalt  }
0x76: {  	_ =	shalt  }
0x77: {  	_ =	shalt  }
0x78: {  	_ =	shalt  }
0x79: {  	_ =	shalt  }
0x7a: {  	_ =	shalt  }
0x7b: {  	_ =	shalt  }
0x7c: {  	_ =	shalt  }
0x7d: {  	_ =	shalt  }
0x7e: {  	_ =	shalt  }
0x7f: {  	_ =	shalt  }
0x80: {  	_ =	shalt  }
0x81: {  	_ =	shalt  }
0x82: {  	_ =	shalt  }
0x83: {  	_ =	shalt  }
0x84: {  	_ =	shalt  }
0x85: {  	_ =	shalt  }
0x86: {  	_ =	shalt  }
0x87: {  	_ =	shalt  }
.Lfunc_end0:
.L_simem_size_0:
called_computation_lowered:
.L_overlay_start_0:
0x88: {  	s2 =	sld [smem:$0x3FD9]  }
0x89: {  	s3 =	sld [smem:$0x3FFE];
	_ =	sdelay $0x1  }
0x8a: {  	s1 =	srdreg.scid  }
0x8b: {  	s0 =	sand.u32 $0x1, s1  }
0x8c: {  	s17 =	sshll.u32 s0, $0xA;
	s2 =	sadd.s32 s3, s2  }
0x8d: {  	s2 =	sadd.s32 s2, s17  }
0x8e: {  	[smem:$0x3FC3] =	sst s2  }
0x8f: {  	_ = 	snop  }
0x90: {  	s2 =	sld [smem:$0x3FC7];
	(tm) =	ssettm $0x1  }
0x91: {  	s18 =	sld [smem:$0x3FFB];
	_ =	sdelay $0x3  }
0x92: {  	_ =	strace s18  }
0x93: {  	s3 =	sld [smem:$0x3FFC];
	_ =	sdelay $0x3  }
0x94: {  	_ =	strace s3  }
0x95: {  	s3 =	sld [smem:$0x3FFD];
	_ =	sdelay $0x3  }
0x96: {  	_ =	strace s3  }
0x97: {  	_ =	strace $0x8FFFFFFF  }
0x98: {  	s19 =	sld [smem:$0x3FDB];
	_ =	sdelay $0x1  }
0x99: {  	s4 =	simm.s32 $_scs_section_size  }
0x9a: {  	s5 =	simm.s32 $_size__tile_overlayer_lowered;
	s6 =	simm.s32 $_tile_overlayer_lowered  }
0x9b: {  	s22 =	simm.s32 $0x1BFF;
	s21 =	sshll.u32 s6, $0x1;
	s3 =	sadd.s32 s4, s19  }
0x9c: {  	s7 =	simm.s32 $0x0;
	s20 =	sshll.u32 s5, $0x1;
	s5 =	sadd.s32 s21, s3  }
0x9d: {  	[timem:s7], [sflag:s22] =	dma.local [hbm:s5], s20  }
0x9e: {  	_ =	swait.ge [sflag:s22], s20  }
0x9f: {  	s4 =	ssub.s32 $0x0, s20;
	[sflag:s22] =	ssyncset.done $0x0  }
0xa0: {  	[sflag:s22] =	ssyncadd.s32 s4;
	_ =	sdelay $0x1  }
0xa1: {  	s23 =	simm.s32 $0x1B8B  }
0xa2: {  	_ =	swait.ge [sflag:s23], $0x1  }
0xa3: {  	[sflag:s23] =	ssyncset.done $0x0  }
0xa4: {  	s25 =	simm.s32 $0x1B8E;
	s24 =	sld [smem:$0x3FFE];
	[sflag:s23] =	ssyncadd.s32 $0xFFFFFFFF  }
0xa5: {  	s26 =	simm.s32 $execute0_lowered;
	[smem:$0x3FD2] =	sst s25  }
0xa6: {  	s5 =	sshll.u32 s26, $0x1;
	_ =	strace $0x80000046;
	[dreg:$0x1] =	wrdreg $0xFFFFFFFF  }
0xa7: {  	s28 =	simm.s32 $_size_execute0_lowered;
	s3 =	sadd.s32 s3, s5;
	[dreg:$0x0] =	wrdreg $0x0  }
0xa8: {  	s5 =	sshll.u32 s28, $0x1;
	[dreg:$0x2] =	wrdreg s3  }
0xa9: {  	[dreg:$0x3] =	wrdreg s5  }
0xaa: {  	[dreg:$0x4] =	wrdreg $0xC0  }
0xab: {  	_ =	task [dreg:s7], $0x5FFFF  }
0xac: {  	[dreg:$0x1] =	wrdreg $0xFFFFFFFF  }
0xad: {  	[dreg:$0x0] =	wrdreg $0x60  }
0xae: {  	[dreg:$0x2] =	wrdreg s24  }
0xaf: {  	[dreg:$0x3] =	wrdreg s2  }
0xb0: {  	[dreg:$0x4] =	wrdreg $0x150000  }
0xb1: {  	[dreg:$0x5] =	wrdreg $0x9  }
0xb2: {  	_ =	task.clear_ibuf [dreg:s7], $0x6FFFF;
	_ =	strace $0x90000046  }
0xb3: {  	s29 =	simm.s32 $0x9;
	_ =	strace $0x80000048  }
0xb4: {  	_ =	swait.ge [sflag:s29], $0x1  }
0xb5: {  	[sflag:s29] =	ssyncadd.s32 $0xFFFFFFFF  }
0xb6: {  	_ =	strace $0x90000048  }
0xb7: {  	_ =	sfence  }
0xb8: {  	s30 =	sld [smem:$0x0];
	_ =	sdelay $0x2  }
0xb9: {  	s31 =	sshll.u32 s1, $0xD;
	s1 =	sshrl.u32 s1, $0x2  }
0xba: {  	s3 =	sand.u32 $0x4000, s31;
	s1 =	sadd.s32 s1, s30  }
0xbb: {  	s0 =	sor.u32 s3, s0;
	s1 =	sshll.u32 s1, $0x11  }
0xbc: {  	s0 =	sor.u32 s1, s0  }
0xbd: {  	s0 =	sadd.s32 $0x8F2B, s0  }
0xbe: {  	[sflag:s0] =	ssyncadd.remote.s32 $0x1  }
0xbf: {  	_ =	sfence.sel $0xFFFF  }
0xc0: {  	[dreg:$0x0] =	wrdreg $0xFFFFFFFF;
	(pc) =	sbr.abs _section_cstart, $3  }
0xc1: {  	[dreg:$0x1] =	wrdreg $0xFFFFFFFF  }
0xc2: {  	_ =	task.clear_ibuf [dreg:s7], $0x2FFFF;
	_ =	strace $0x9FFFFFFF  }
0xc3: {  	(tm) =	ssettm $0x7FFFFFFF  }
tec
execute0_lowered:
.L_overlay_start_1:
0x0: {  	(tag) =	ssettag $0x1  }
0x1: {  	s0 =	rddreg [dreg:$0x0]  }
0x2: {  	s2 =	rddreg [dreg:$0x1]  }
0x3: {  	s3 =	rddreg [dreg:$0x2]  }
0x4: {  	s1 =	srdreg.scid;
	s8 =	stileid.u32  }
0x5: {  	s4 =	simm.s32 $0x0;
	s10 =	simm.s32 $0x9;
	s11 =	simm.s32 $0x2000  }
0x6: {  	s13 =	simm.s32 $0x64;
	s14 =	simm.s32 $0x4000;
	s16 =	simm.s32 $0x7400  }
0x7: {  	s18 =	simm.s32 $0xA800;
	s20 =	simm.s32 $0xDC00;
	s21 =	simm.s32 $0x1  }
0x8: {  	s22 =	simm.s32 $0x5;
	s24 =	simm.s32 $0x2;
	s29 =	simm.s32 $0x3  }
0x9: {  	s31 =	simm.s32 $0x7;
	s12 =	simm.s32 $0x4;
	s15 =	simm.s32 $0x8  }
0xa: {  	s17 =	simm.s32 $0x1F80;
	s23 =	simm.s32 $0x3E80;
	s25 =	simm.s32 $0x3F00  }
0xb: {  	s28 =	simm.s32 $0x3F80;
	s30 =	simm.s32 $0x0;
	s1 =	sand.u32 $0x1, s1  }
0xc: {  	s5 =	sshll.u32 s8, $0x1;
	[smem:$0x7FF] =	sst s4;
	s26 =	sshll.u32 s8, $0xE  }
0xd: {  	s5 =	sor.u32 s1, s5;
	_ =	strace $0x80000047;
	s1 =	ssub.s32 $0x2, s1  }
0xe: {  	s6 =	sshll.u32 s5, $0xA;
	s5 =	sshll.u32 s5, $0xB;
	s7 =	sshrl.u32 s1, $0x1  }
0xf: {  	s6 =	sadd.s32 s6, s0;
	s0 =	sadd.s32 s5, s0;
	s1 =	ssub.s32 s1, s7  }
0x10: {  	s7 =	sadd.s32 s26, s3;
	s26 =	simm.s32 $0x6;
	s5 =	sadd.s32 $0x1200, s6  }
0x11: {  	v0 =	vimm.f32 $0.0e+00;
	s6 =	sadd.s32 $0x9200, s6;
	s8 =	sadd.s32 $0x11200, s0;
	s9 =	smax.u32 s1, $0x1  }
.LBB2_1:
0x12: {  	[tilespmem:s4], [sflag:$0x9] =	stream.linear.gather [hbm4b:s5+s4], $0x2000, $0x38;
	[tilespmem:$0x19000] =	vst v63  }
0x13: {  	_ =	swait.ge [sflag:s10], $0x2000  }
0x14: {  	[sflag:s10] =	ssyncset.done $0x0  }
0x15: {  	[sflag:s10] =	ssyncadd.s32 $0xFFFFE000  }
0x16: {  	[tilespmem:s11], [sflag:$0x9] =	stream.linear.gather [hbm4b:s6+s4], $0x2000, $0x38;
	[tilespmem:$0x19000] =	vst v63  }
0x17: {  	_ =	swait.ge [sflag:s10], $0x2000  }
0x18: {  	[sflag:s10] =	ssyncset.done $0x0  }
0x19: {  	s0 =	simm.s32 $0x0;
	s1 =	simm.s32 $0x200;
	[sflag:s10] =	ssyncadd.s32 $0xFFFFE000  }
.LBB2_2:
0x1a: {  	p0 =	sne.s32 s1, $0xFE00;
	[tilespmem:s0+$0x11070] =	vst v0  }
0x1b: {  	[tilespmem:s0+$0x11000] =	vst v0  }
0x1c: {  	[tilespmem:s0+$0x11010] =	vst v0  }
.Ltmp0:
0x1d: {  	[tilespmem:s0+$0x11020] =	vst v0;
	(pc) =	sbr.rel @p0 .LBB2_2-.Ltmp0, $4  }
0x1e: {  	[tilespmem:s0+$0x11030] =	vst v0  }
0x1f: {  	[tilespmem:s0+$0x11040] =	vst v0  }
0x20: {  	[tilespmem:s0+$0x11050] =	vst v0  }
0x21: {  	[tilespmem:s0+$0x11060] =	vst v0;
	s0 =	sshra.s32 s1, $0x2;
	s1 =	sadd.s32 $0x200, s1  }
0x22: {  	[tilespmem:s0+$0x11070] =	vst v0  }
0x23: {  	[tilespmem:s0+$0x11000] =	vst v0  }
0x24: {  	[tilespmem:s0+$0x11010] =	vst v0  }
0x25: {  	[tilespmem:s0+$0x11020] =	vst v0  }
0x26: {  	[tilespmem:s0+$0x11030] =	vst v0  }
0x27: {  	[tilespmem:s0+$0x11040] =	vst v0  }
0x28: {  	[tilespmem:s0+$0x11050] =	vst v0  }
0x29: {  	[tilespmem:s0+$0x11060] =	vst v0;
	s1 =	simm.s32 $0x11000  }
0x2a: {  	[spmem:s7] =	stream.linear.scatter [tilespmem:s1], [sflag:$0x9], $0x4000, $0x38;
	[tilespmem:$0x19000] =	vst v63  }
0x2b: {  	_ =	swait.ge [sflag:s10], $0x4000  }
0x2c: {  	[sflag:s10] =	ssyncset.done $0x0  }
0x2d: {  	s19 =	simm.s32 $0x0;
	[sflag:s10] =	ssyncadd.s32 $0xFFFFC000  }
0x2e: {  	[tilespmem:s14], [sflag:$0x1] =	stream.indirect.gather [hbm4b:s2+s13], $0x80, s19, s13, $0xb8;
	[tilespmem:$0x19000] =	vst v63  }
0x2f: {  	s1 =	simm.s32 $0x80  }
0x30: {  	[tilespmem:s16], [sflag:$0x2] =	stream.indirect.gather [hbm4b:s2+s13], $0x80, s1, s13, $0xb8;
	[tilespmem:$0x19000] =	vst v63  }
0x31: {  	s19 =	simm.s32 $0x100  }
0x32: {  	[tilespmem:s18], [sflag:$0x3] =	stream.indirect.gather [hbm4b:s2+s13], $0x80, s19, s13, $0xb8;
	[tilespmem:$0x19000] =	vst v63  }
0x33: {  	s1 =	simm.s32 $0x180  }
0x34: {  	[tilespmem:s20], [sflag:$0x4] =	stream.indirect.gather [hbm4b:s2+s13], $0x80, s1, s13, $0xb8;
	[tilespmem:$0x19000] =	vst v63  }
0x35: {  	_ =	swait.ge [sflag:s21], $0x3200  }
0x36: {  	[sflag:s21] =	ssyncset.done $0x0  }
0x37: {  	[sflag:s21] =	ssyncadd.s32 $0xFFFFCE00  }
0x38: {  	[spmem:s3] =	stream.indirect.scatter.add.f32 [tilespmem:s14], [sflag:$0x5], $0x80, s11, s13, $0xb8;
	[tilespmem:$0x19000] =	vst v63  }
0x39: {  	_ =	swait.ge [sflag:s22], $0x3200  }
0x3a: {  	[sflag:s22] =	ssyncset.done $0x0  }
0x3b: {  	s19 =	simm.s32 $0x200;
	[sflag:s22] =	ssyncadd.s32 $0xFFFFCE00  }
0x3c: {  	[tilespmem:s14], [sflag:$0x1] =	stream.indirect.gather [hbm4b:s2+s13], $0x80, s19, s13, $0xb8;
	[tilespmem:$0x19000] =	vst v63  }
0x3d: {  	_ =	swait.ge [sflag:s24], $0x3200  }
0x3e: {  	[sflag:s24] =	ssyncset.done $0x0  }
0x3f: {  	s1 =	simm.s32 $0x2080;
	[sflag:s24] =	ssyncadd.s32 $0xFFFFCE00  }
0x40: {  	[spmem:s3] =	stream.indirect.scatter.add.f32 [tilespmem:s16], [sflag:$0x6], $0x80, s1, s13, $0xb8;
	[tilespmem:$0x19000] =	vst v63  }
0x41: {  	_ =	swait.ge [sflag:s26], $0x3200  }
0x42: {  	[sflag:s26] =	ssyncset.done $0x0  }
0x43: {  	s19 =	simm.s32 $0x280;
	[sflag:s26] =	ssyncadd.s32 $0xFFFFCE00  }
0x44: {  	[tilespmem:s16], [sflag:$0x2] =	stream.indirect.gather [hbm4b:s2+s13], $0x80, s19, s13, $0xb8;
	[tilespmem:$0x19000] =	vst v63  }
0x45: {  	_ =	swait.ge [sflag:s29], $0x3200  }
0x46: {  	[sflag:s29] =	ssyncset.done $0x0  }
0x47: {  	s1 =	simm.s32 $0x2100;
	[sflag:s29] =	ssyncadd.s32 $0xFFFFCE00  }
0x48: {  	[spmem:s3] =	stream.indirect.scatter.add.f32 [tilespmem:s18], [sflag:$0x7], $0x80, s1, s13, $0xb8;
	[tilespmem:$0x19000] =	vst v63  }
0x49: {  	_ =	swait.ge [sflag:s31], $0x3200  }
0x4a: {  	[sflag:s31] =	ssyncset.done $0x0  }
0x4b: {  	s19 =	simm.s32 $0x300;
	[sflag:s31] =	ssyncadd.s32 $0xFFFFCE00  }
0x4c: {  	[tilespmem:s18], [sflag:$0x3] =	stream.indirect.gather [hbm4b:s2+s13], $0x80, s19, s13, $0xb8;
	[tilespmem:$0x19000] =	vst v63  }
0x4d: {  	_ =	swait.ge [sflag:s12], $0x3200  }
0x4e: {  	[sflag:s12] =	ssyncset.done $0x0  }
0x4f: {  	s1 =	simm.s32 $0x2180;
	[sflag:s12] =	ssyncadd.s32 $0xFFFFCE00  }
0x50: {  	[spmem:s3] =	stream.indirect.scatter.add.f32 [tilespmem:s20], [sflag:$0x8], $0x80, s1, s13, $0xb8;
	[tilespmem:$0x19000] =	vst v63  }
0x51: {  	_ =	swait.ge [sflag:s15], $0x3200  }
0x52: {  	[sflag:s15] =	ssyncset.done $0x0  }
0x53: {  	s19 =	simm.s32 $0x380;
	[sflag:s15] =	ssyncadd.s32 $0xFFFFCE00  }
0x54: {  	[tilespmem:s20], [sflag:$0x4] =	stream.indirect.gather [hbm4b:s2+s13], $0x80, s19, s13, $0xb8;
	[tilespmem:$0x19000] =	vst v63  }
0x55: {  	_ =	swait.ge [sflag:s21], $0x3200  }
0x56: {  	[sflag:s21] =	ssyncset.done $0x0  }
0x57: {  	s1 =	simm.s32 $0x2200;
	[sflag:s21] =	ssyncadd.s32 $0xFFFFCE00  }
0x58: {  	[spmem:s3] =	stream.indirect.scatter.add.f32 [tilespmem:s14], [sflag:$0x5], $0x80, s1, s13, $0xb8;
	[tilespmem:$0x19000] =	vst v63  }
0x59: {  	_ =	swait.ge [sflag:s22], $0x3200  }
0x5a: {  	[sflag:s22] =	ssyncset.done $0x0  }
0x5b: {  	s19 =	simm.s32 $0x400;
	[sflag:s22] =	ssyncadd.s32 $0xFFFFCE00  }
0x5c: {  	[tilespmem:s14], [sflag:$0x1] =	stream.indirect.gather [hbm4b:s2+s13], $0x80, s19, s13, $0xb8;
	[tilespmem:$0x19000] =	vst v63  }
0x5d: {  	_ =	swait.ge [sflag:s24], $0x3200  }
0x5e: {  	[sflag:s24] =	ssyncset.done $0x0  }
0x5f: {  	s1 =	simm.s32 $0x2280;
	[sflag:s24] =	ssyncadd.s32 $0xFFFFCE00  }
0x60: {  	[spmem:s3] =	stream.indirect.scatter.add.f32 [tilespmem:s16], [sflag:$0x6], $0x80, s1, s13, $0xb8;
	[tilespmem:$0x19000] =	vst v63  }
0x61: {  	_ =	swait.ge [sflag:s26], $0x3200  }
0x62: {  	[sflag:s26] =	ssyncset.done $0x0  }
0x63: {  	s19 =	simm.s32 $0x480;
	[sflag:s26] =	ssyncadd.s32 $0xFFFFCE00  }
0x64: {  	[tilespmem:s16], [sflag:$0x2] =	stream.indirect.gather [hbm4b:s2+s13], $0x80, s19, s13, $0xb8;
	[tilespmem:$0x19000] =	vst v63  }
0x65: {  	_ =	swait.ge [sflag:s29], $0x3200  }
0x66: {  	[sflag:s29] =	ssyncset.done $0x0  }
0x67: {  	s1 =	simm.s32 $0x2300;
	[sflag:s29] =	ssyncadd.s32 $0xFFFFCE00  }
0x68: {  	[spmem:s3] =	stream.indirect.scatter.add.f32 [tilespmem:s18], [sflag:$0x7], $0x80, s1, s13, $0xb8;
	[tilespmem:$0x19000] =	vst v63  }
0x69: {  	_ =	swait.ge [sflag:s31], $0x3200  }
0x6a: {  	[sflag:s31] =	ssyncset.done $0x0  }
0x6b: {  	s19 =	simm.s32 $0x500;
	[sflag:s31] =	ssyncadd.s32 $0xFFFFCE00  }
0x6c: {  	[tilespmem:s18], [sflag:$0x3] =	stream.indirect.gather [hbm4b:s2+s13], $0x80, s19, s13, $0xb8;
	[tilespmem:$0x19000] =	vst v63  }
0x6d: {  	_ =	swait.ge [sflag:s12], $0x3200  }
0x6e: {  	[sflag:s12] =	ssyncset.done $0x0  }
0x6f: {  	s0 =	simm.s32 $0x800;
	s1 =	simm.s32 $0x2380;
	[sflag:s12] =	ssyncadd.s32 $0xFFFFCE00  }
.LBB2_4:
0x70: {  	[spmem:s3] =	stream.indirect.scatter.add.f32 [tilespmem:s20], [sflag:$0x8], $0x80, s1, s13, $0xb8;
	[tilespmem:$0x19000] =	vst v63  }
0x71: {  	s1 =	smov.u32 s0  }
0x72: {  	p0 =	sne.s32 s0, $0x6800;
	s0 =	sadd.s32 $0x800, s0;
	_ =	swait.ge [sflag:s15], $0x3200  }
0x73: {  	s1 =	sshra.s32 s1, $0x2;
	[sflag:s15] =	ssyncset.done $0x0  }
0x74: {  	s19 =	sadd.s32 $0x380, s1;
	[sflag:s15] =	ssyncadd.s32 $0xFFFFCE00  }
0x75: {  	[tilespmem:s20], [sflag:$0x4] =	stream.indirect.gather [hbm4b:s2+s13], $0x80, s19, s13, $0xb8;
	[tilespmem:$0x19000] =	vst v63  }
0x76: {  	_ =	swait.ge [sflag:s21], $0x3200  }
0x77: {  	[sflag:s21] =	ssyncset.done $0x0  }
0x78: {  	s19 =	sadd.s32 $0x2200, s1;
	[sflag:s21] =	ssyncadd.s32 $0xFFFFCE00  }
0x79: {  	[spmem:s3] =	stream.indirect.scatter.add.f32 [tilespmem:s14], [sflag:$0x5], $0x80, s19, s13, $0xb8;
	[tilespmem:$0x19000] =	vst v63  }
0x7a: {  	_ =	swait.ge [sflag:s22], $0x3200  }
0x7b: {  	[sflag:s22] =	ssyncset.done $0x0  }
0x7c: {  	s19 =	sadd.s32 $0x400, s1;
	[sflag:s22] =	ssyncadd.s32 $0xFFFFCE00  }
0x7d: {  	[tilespmem:s14], [sflag:$0x1] =	stream.indirect.gather [hbm4b:s2+s13], $0x80, s19, s13, $0xb8;
	[tilespmem:$0x19000] =	vst v63  }
0x7e: {  	_ =	swait.ge [sflag:s24], $0x3200  }
0x7f: {  	[sflag:s24] =	ssyncset.done $0x0  }
0x80: {  	s19 =	sadd.s32 $0x2280, s1;
	[sflag:s24] =	ssyncadd.s32 $0xFFFFCE00  }
0x81: {  	[spmem:s3] =	stream.indirect.scatter.add.f32 [tilespmem:s16], [sflag:$0x6], $0x80, s19, s13, $0xb8;
	[tilespmem:$0x19000] =	vst v63  }
0x82: {  	_ =	swait.ge [sflag:s26], $0x3200  }
0x83: {  	[sflag:s26] =	ssyncset.done $0x0  }
0x84: {  	s19 =	sadd.s32 $0x480, s1;
	[sflag:s26] =	ssyncadd.s32 $0xFFFFCE00  }
0x85: {  	[tilespmem:s16], [sflag:$0x2] =	stream.indirect.gather [hbm4b:s2+s13], $0x80, s19, s13, $0xb8;
	[tilespmem:$0x19000] =	vst v63  }
0x86: {  	_ =	swait.ge [sflag:s29], $0x3200  }
0x87: {  	[sflag:s29] =	ssyncset.done $0x0  }
0x88: {  	s19 =	sadd.s32 $0x2300, s1;
	[sflag:s29] =	ssyncadd.s32 $0xFFFFCE00  }
0x89: {  	[spmem:s3] =	stream.indirect.scatter.add.f32 [tilespmem:s18], [sflag:$0x7], $0x80, s19, s13, $0xb8;
	[tilespmem:$0x19000] =	vst v63  }
0x8a: {  	_ =	swait.ge [sflag:s31], $0x3200  }
0x8b: {  	[sflag:s31] =	ssyncset.done $0x0  }
.Ltmp1:
0x8c: {  	s19 =	sadd.s32 $0x500, s1;
	[sflag:s31] =	ssyncadd.s32 $0xFFFFCE00;
	(pc) =	sbr.rel @p0 .LBB2_4-.Ltmp1, $4  }
0x8d: {  	[tilespmem:s18], [sflag:$0x3] =	stream.indirect.gather [hbm4b:s2+s13], $0x80, s19, s13, $0xb8;
	[tilespmem:$0x19000] =	vst v63  }
0x8e: {  	_ =	swait.ge [sflag:s12], $0x3200  }
0x8f: {  	[sflag:s12] =	ssyncset.done $0x0  }
0x90: {  	s1 =	sadd.s32 $0x2380, s1;
	[sflag:s12] =	ssyncadd.s32 $0xFFFFCE00  }
0x91: {  	[spmem:s3] =	stream.indirect.scatter.add.f32 [tilespmem:s20], [sflag:$0x8], $0x80, s1, s13, $0xb8;
	[tilespmem:$0x19000] =	vst v63  }
0x92: {  	_ =	swait.ge [sflag:s15], $0x3200  }
0x93: {  	[sflag:s15] =	ssyncset.done $0x0  }
0x94: {  	[sflag:s15] =	ssyncadd.s32 $0xFFFFCE00  }
0x95: {  	[tilespmem:s20], [sflag:$0x4] =	stream.indirect.gather [hbm4b:s2+s13], $0x80, s17, s13, $0xb8;
	[tilespmem:$0x19000] =	vst v63  }
0x96: {  	_ =	swait.ge [sflag:s21], $0x3200  }
0x97: {  	[sflag:s21] =	ssyncset.done $0x0  }
0x98: {  	s0 =	simm.s32 $0x3E00;
	[sflag:s21] =	ssyncadd.s32 $0xFFFFCE00  }
0x99: {  	[spmem:s3] =	stream.indirect.scatter.add.f32 [tilespmem:s14], [sflag:$0x5], $0x80, s0, s13, $0xb8;
	[tilespmem:$0x19000] =	vst v63  }
0x9a: {  	_ =	swait.ge [sflag:s22], $0x3200  }
0x9b: {  	[sflag:s22] =	ssyncset.done $0x0  }
0x9c: {  	[sflag:s22] =	ssyncadd.s32 $0xFFFFCE00  }
0x9d: {  	[tilespmem:s14], [sflag:$0x1] =	stream.indirect.gather [hbm4b:s2+s13], $0x80, s17, s13, $0xb8;
	[tilespmem:$0x19000] =	vst v63  }
0x9e: {  	_ =	swait.ge [sflag:s24], $0x3200  }
0x9f: {  	[sflag:s24] =	ssyncset.done $0x0  }
0xa0: {  	[sflag:s24] =	ssyncadd.s32 $0xFFFFCE00  }
0xa1: {  	[spmem:s3] =	stream.indirect.scatter.add.f32 [tilespmem:s16], [sflag:$0x6], $0x80, s23, s13, $0xb8;
	[tilespmem:$0x19000] =	vst v63  }
0xa2: {  	_ =	swait.ge [sflag:s26], $0x3200  }
0xa3: {  	[sflag:s26] =	ssyncset.done $0x0  }
0xa4: {  	[sflag:s26] =	ssyncadd.s32 $0xFFFFCE00  }
0xa5: {  	[tilespmem:s16], [sflag:$0x2] =	stream.indirect.gather [hbm4b:s2+s13], $0x80, s17, s13, $0xb8;
	[tilespmem:$0x19000] =	vst v63  }
0xa6: {  	_ =	swait.ge [sflag:s29], $0x3200  }
0xa7: {  	[sflag:s29] =	ssyncset.done $0x0  }
0xa8: {  	[sflag:s29] =	ssyncadd.s32 $0xFFFFCE00  }
0xa9: {  	[spmem:s3] =	stream.indirect.scatter.add.f32 [tilespmem:s18], [sflag:$0x7], $0x80, s25, s13, $0xb8;
	[tilespmem:$0x19000] =	vst v63  }
0xaa: {  	_ =	swait.ge [sflag:s31], $0x3200  }
0xab: {  	[sflag:s31] =	ssyncset.done $0x0  }
0xac: {  	[sflag:s31] =	ssyncadd.s32 $0xFFFFCE00  }
0xad: {  	[tilespmem:s18], [sflag:$0x3] =	stream.indirect.gather [hbm4b:s2+s13], $0x80, s17, s13, $0xb8;
	[tilespmem:$0x19000] =	vst v63  }
0xae: {  	_ =	swait.ge [sflag:s12], $0x3200  }
0xaf: {  	[sflag:s12] =	ssyncset.done $0x0  }
0xb0: {  	[sflag:s12] =	ssyncadd.s32 $0xFFFFCE00  }
0xb1: {  	[spmem:s3] =	stream.indirect.scatter.add.f32 [tilespmem:s20], [sflag:$0x8], $0x80, s28, s13, $0xb8;
	[tilespmem:$0x19000] =	vst v63  }
0xb2: {  	_ =	swait.ge [sflag:s15], $0x3200  }
0xb3: {  	[sflag:s15] =	ssyncset.done $0x0  }
0xb4: {  	[sflag:s15] =	ssyncadd.s32 $0xFFFFCE00  }
0xb5: {  	_ =	swait.ge [sflag:s21], $0x3200  }
0xb6: {  	[sflag:s21] =	ssyncset.done $0x0  }
0xb7: {  	[sflag:s21] =	ssyncadd.s32 $0xFFFFCE00  }
0xb8: {  	_ =	swait.ge [sflag:s24], $0x3200  }
0xb9: {  	[sflag:s24] =	ssyncset.done $0x0  }
0xba: {  	s1 =	stileid.u32;
	[sflag:s24] =	ssyncadd.s32 $0xFFFFCE00  }
0xbb: {  	s19 =	sshrl.u32 s7, $0x3;
	s30 =	sadd.s32 $0x1, s30;
	_ =	swait.ge [sflag:s29], $0x3200  }
0xbc: {  	p0 =	sne.s32 s30, s9;
	s0 =	sshll.u32 s1, $0x6;
	[sflag:s29] =	ssyncset.done $0x0  }
.Ltmp2:
0xbd: {  	s0 =	sor.u32 $0x1C09, s0;
	[sflag:s29] =	ssyncadd.s32 $0xFFFFCE00;
	(pc) =	sbr.rel @p0 .LBB2_1-.Ltmp2, $4  }
0xbe: {  	[hbm:s8], [sflag:s0] =	dma.local [spmem:s19], $0x800  }
0xbf: {  	_ =	swait.ge [sflag:s10], $0x800  }
0xc0: {  	[sflag:s10] =	ssyncset.done $0x0  }
0xc1: {  	[sflag:s10] =	ssyncadd.s32 $0xFFFFF800  }
0xc2: {  	_ =	sfence.sel $0x180000  }
0xc3: {  	[bflag:$0x0] =	sbarrier.arrive $0xFFFF  }
0xc4: {  	_ =	strace $0x90000047  }
0xc5: {  	s0 =	stileid.u32;
	[bflag:$0x2] =	sbarrier.arrive $0xFFFF  }
0xc6: {  	p0 =	sne.s32 s0, $0x0;
	s0 =	rddreg [dreg:$0x3]  }
0xc7: {  	s0 =	sadd.s32 @!p0 $0x100000, s0  }
0xc8: {  	[sflag:s0] =	ssyncadd.tile.s32 @!p0 $0x1;
	_ =	shalt  }
.Lfunc_end2:
_tile_overlayer_lowered:
.L_overlay_start_2:
0xc9: {  	(tag) =	ssettag $0x2  }
0xca: {  	s0 =	rddreg [dreg:$0x0];
	s2 =	stileid.u32  }
0xcb: {  	s1 =	rddreg [dreg:$0x1];
	p0 =	sne.s32 s2, $0x0  }
0xcc: {  	s3 =	rddreg [dreg:$0x2];
	[bflag:$0x3] =	sbarrier.arrive $0xFFFF;
	s2 =	simm.s32 @!p0 $0x1C09  }
0xcd: {  	[timem:s3], [sflag:s2] =	dma.local @!p0 [hbm:s0], s1  }
0xce: {  	s0 =	simm.s32 @!p0 $0x9  }
0xcf: {  	_ =	swait.ge @!p0 [sflag:s0], s1  }
0xd0: {  	s1 =	ssub.s32 @!p0 $0x0, s1;
	[sflag:s0] =	ssyncset.done @!p0 $0x0  }
0xd1: {  	[sflag:s0] =	ssyncadd.s32 @!p0 s1  }
0xd2: {  	[bflag:$0x3] =	sbarrier.arrive $0xFFFF  }
0xd3: {  	_ =	shalt  }

</sc_bundles>
